<compile_context>
chip_gen: v7x
topology: tpu7x:2x2x1
jax: 0.10.2.dev20260603
libtpu: 0.0.44.dev20260713+nightly
codegen_flags: <defaults>
</compile_context>

<pallas_src>
import functools

import jax
import jax.numpy as jnp
from jax import lax
from jax.experimental import pallas as pl
from jax.experimental.pallas import tpu as pltpu
from jax.experimental.pallas import tpu_sc as plsc

KMAX = 64
L = 16


def _queries_body(z_ref, w_ref, o_ref):
    o_ref[...] = jax.lax.dot_general(
        z_ref[...], w_ref[...], (((1,), (1,)), ((), ())),
        preferred_element_type=jnp.float32)


def _si_body(qn_ref, kn_ref, w_ref, o_ref, acc_ref, *, S, DK):
    bm = o_ref.shape[0]
    bn = o_ref.shape[1]
    for s in range(S):
        acc_ref[s] = jax.lax.dot_general(
            qn_ref[:, s * DK:(s + 1) * DK], kn_ref[s],
            (((1,), (1,)), ((), ())), preferred_element_type=jnp.float32)
    sm = acc_ref[...].reshape(S, bm * bn)
    o_ref[...] = jax.lax.dot_general(
        w_ref[...], sm, (((1,), (0,)), ((), ())),
        preferred_element_type=jnp.float32).reshape(bm, bn)


def _topk_rows_sc(p, B, N):
    NW = 32
    ROWS = B // NW
    NV = N // L
    GV = NV // 4
    mesh = plsc.VectorSubcoreMesh(core_axis_name="c", subcore_axis_name="s")

    @functools.partial(
        pl.kernel, mesh=mesh,
        out_type=[jax.ShapeDtypeStruct((B, KMAX), jnp.float32),
                  jax.ShapeDtypeStruct((B, KMAX), jnp.int32)],
        scratch_types=[pltpu.VMEM((N,), jnp.float32),
                       pltpu.VMEM((N + 4 * L,), jnp.float32),
                       pltpu.VMEM((N,), jnp.int32),
                       pltpu.VMEM((KMAX,), jnp.float32),
                       pltpu.VMEM((KMAX,), jnp.int32)],
        compiler_params=pltpu.CompilerParams(needs_layout_passes=False),
    )
    def k(p_hbm, outa_hbm, outi_hbm, row_v, candp_v, candi_v, topa_v, topi_v):
        wid = lax.axis_index("s") * 2 + lax.axis_index("c")
        base = wid * ROWS
        lane = lax.iota(jnp.int32, L)
        mask0 = lane == 0
        neg1 = jnp.full((L,), -1.0, jnp.float32)

        def do_row(r, _):
            row = base + r
            pltpu.sync_copy(p_hbm.at[row], row_v)

            def gmax(g):
                def mx(v, acc):
                    for u in range(8):
                        acc = jnp.maximum(
                            acc, row_v[pl.ds((g * GV + v * 8 + u) * L, L)])
                    return acc
                return lax.fori_loop(0, GV // 8, mx,
                                     jnp.full((L,), -2.0, jnp.float32))
            m01 = jnp.minimum(gmax(0), gmax(1))
            m23 = jnp.minimum(gmax(2), gmax(3))
            t = -plsc.cummax(-jnp.minimum(m01, m23))[15]

            def comp(v8, cnt):
                for u in range(8):
                    v = v8 * 8 + u
                    x = row_v[pl.ds(v * L, L)]
                    msk = x >= t
                    mi = msk.astype(jnp.int32)
                    c = plsc.cumsum(mi)
                    pos = cnt + c - 1
                    plsc.store_scatter(candp_v, [pos], x, mask=msk)
                    plsc.store_scatter(candi_v, [pos], v * L + lane, mask=msk)
                    cnt = cnt + c[15]
                return cnt
            cnt = lax.fori_loop(0, NV // 8, comp, jnp.int32(0))
            for u in range(4):
                plsc.store_scatter(candp_v, [cnt + u * L + lane], neg1)
            nv4 = (cnt + 4 * L - 1) // (4 * L)

            big = jnp.full((L,), 1 << 30, jnp.int32)

            def ext(kk, ssum):
                def mx(v4, st):
                    acc, apos = st
                    for u in range(4):
                        v = v4 * 4 + u
                        x = candp_v[pl.ds(v * L, L)]
                        upd = x > acc
                        acc = jnp.where(upd, x, acc)
                        apos = jnp.where(upd, v * L + lane, apos)
                    return (acc, apos)
                gm, gpos = lax.fori_loop(
                    0, nv4, mx,
                    (jnp.full((L,), -2.0, jnp.float32), big))
                m = plsc.cummax(gm)[15]
                cand_pos = jnp.where(gm == m, gpos, big)
                pos = -plsc.cummax(-cand_pos)[15]
                posv = jnp.full((L,), pos, jnp.int32)
                iv = plsc.load_gather(candi_v, [posv])
                kv = jnp.full((L,), kk, jnp.int32)
                plsc.store_scatter(topa_v, [kv],
                                   jnp.full((L,), m, jnp.float32), mask=mask0)
                plsc.store_scatter(topi_v, [kv], iv, mask=mask0)
                plsc.store_scatter(candp_v, [posv], neg1, mask=mask0)
                return ssum + m
            ssum = lax.fori_loop(0, KMAX, ext, jnp.float32(0.0))

            den = ssum + jnp.float32(1e-08)
            for j in range(KMAX // L):
                topa_v[pl.ds(j * L, L)] = topa_v[pl.ds(j * L, L)] / den

            pltpu.sync_copy(topa_v, outa_hbm.at[row])
            pltpu.sync_copy(topi_v, outi_hbm.at[row])
            return 0

        lax.fori_loop(0, ROWS, do_row, 0)

    return k(p)


def kernel(z, pool_keys, W_Q, aspect_weights, tau, lambda_val, is_warmup):
    S, N, DK = pool_keys.shape
    B, DA = z.shape

    queries = jnp.einsum('ska,ba->bsk', W_Q, z)
    qn = queries / (jnp.linalg.norm(queries, axis=-1, keepdims=True) + 1e-08)
    kn = pool_keys / (jnp.linalg.norm(pool_keys, axis=-1, keepdims=True) + 1e-08)
    sim = jnp.einsum('bsk,snk->bsn', qn, kn)
    w = jax.nn.softmax(aspect_weights, axis=0)
    s_i = jnp.einsum('s,bsn->bn', w, sim)

    def warmup_select(_):
        scores, idx = jax.lax.top_k(s_i, KMAX)
        alpha = jax.nn.softmax(scores / 1.0, axis=-1)
        return (alpha, idx)

    def gate_select(_):
        g = jax.nn.sigmoid(lambda_val * (s_i - tau))
        raw = g * jnp.exp(s_i / 1.0)
        raw = raw / (raw.sum(axis=-1, keepdims=True) + 1e-08)
        alpha, idx = _topk_rows_sc(raw, B, N)
        return (alpha, idx)

    return jax.lax.cond(jnp.asarray(is_warmup, dtype=bool), warmup_select, gate_select, None)

# --- scband reference (transcript-rebuilt; emitter-appended) ---
"""Pipeline reference for scband-multi-aspect-retrieval-46780783788087 (READ-ONLY COPY).

The authoritative reference and input builder live on the scoring server;
editing this copy changes nothing except your own understanding.
"""

import jax, jax.numpy as jnp
import numpy as np

S, DK, DA, B, N, KMAX, T = 8, 128, 1024, 1024, 8192, 64, 1.0

def setup_inputs(seed: int = 0) -> dict:
    key = jax.random.key(seed)
    k1, k2, k3 = jax.random.split(key, 3)
    z = jax.random.normal(k1, (B, DA), dtype=jnp.float32)
    pool_keys = jax.random.normal(k2, (S, N, DK), dtype=jnp.float32)
    W_Q = jax.random.normal(k3, (S, DK, DA), dtype=jnp.float32) * (DA ** -0.5)
    aspect_weights = jnp.zeros((S,), dtype=jnp.float32)
    tau = jnp.array(0.0, dtype=jnp.float32)
    return {"z": z, "pool_keys": pool_keys, "W_Q": W_Q,
            "aspect_weights": aspect_weights, "tau": tau,
            "lambda_val": 10, "is_warmup": 0}

def reference(z, pool_keys, W_Q, aspect_weights, tau, lambda_val, is_warmup):
    queries = jnp.einsum('ska,ba->bsk', W_Q, z)
    qn = queries / (jnp.linalg.norm(queries, axis=-1, keepdims=True) + 1e-08)
    kn = pool_keys / (jnp.linalg.norm(pool_keys, axis=-1, keepdims=True) + 1e-08)
    sim = jnp.einsum('bsk,snk->bsn', qn, kn)
    w = jax.nn.softmax(aspect_weights, axis=0)
    s_i = jnp.einsum('s,bsn->bn', w, sim)

    def warmup_select(_):
        scores, idx = jax.lax.top_k(s_i, KMAX)
        alpha = jax.nn.softmax(scores / T, axis=-1)
        return (alpha, idx)

    def gate_select(_):
        g = jax.nn.sigmoid(lambda_val * (s_i - tau))
        raw = g * jnp.exp(s_i / T)
        raw = raw / (raw.sum(axis=-1, keepdims=True) + 1e-08)
        top_raw, idx = jax.lax.top_k(raw, KMAX)
        alpha = top_raw / (top_raw.sum(axis=-1, keepdims=True) + 1e-08)
        return (alpha, idx)

    alphas, indices = jax.lax.cond(jnp.asarray(is_warmup, dtype=bool), warmup_select, gate_select, None)
    return (alphas, indices)

if __name__ == "__main__":
    import jax
    _d = setup_inputs()
    print(jax.jit(kernel)(*tuple(_d.values())))

</pallas_src>

<mosaic_0001>
#map = affine_map<(d0, d1) -> (0, 0)>
module attributes {stable_mosaic.version = 14 : i64} {
  func.func @k(%arg0: i32, %arg1: i32, %arg2: memref<1024x8192xf32, #tpu.memory_space<hbm>>, %arg3: memref<1024x64xf32, #tpu.memory_space<hbm>>, %arg4: memref<1024x64xi32, #tpu.memory_space<hbm>>, %arg5: memref<8192xf32, #tpu.memory_space<vmem>>, %arg6: memref<8256xf32, #tpu.memory_space<vmem>>, %arg7: memref<8192xi32, #tpu.memory_space<vmem>>, %arg8: memref<64xf32, #tpu.memory_space<vmem>>, %arg9: memref<64xi32, #tpu.memory_space<vmem>>) attributes {dimension_semantics = [#tpu.dimension_semantics<core_parallel>, #tpu.dimension_semantics<subcore_parallel>], iteration_bounds = array<i64: 2, 16>, scalar_prefetch = 0 : i64, scratch_operands = 5 : i64, tpu.core_type = #tpu.core_type<sc_vector_subcore>, window_params = [{transform_indices = #map}, {transform_indices = #map}, {transform_indices = #map}]} {
    %mul3A = arith.constant 2 : i32
    %mul3A_0 = arith.muli %arg1, %mul3A : i32
    %add3A = arith.addi %mul3A_0, %arg0 : i32
    %mul3A_1 = arith.constant 32 : i32
    %mul3A_2 = arith.muli %add3A, %mul3A_1 : i32
    %iota3A = tpu.iota {dimensions = array<i32: 0>} : vector<16xi32>
    %eq3A = arith.constant 0 : i32
    %eq3A_3 = vector.broadcast %eq3A : i32 to vector<16xi32>
    %eq3A_4 = arith.cmpi eq, %iota3A, %eq3A_3 : vector<16xi32>
    %broadcast_in_dim3A = arith.constant -1.000000e+00 : f32
    %broadcast_in_dim3A_5 = vector.broadcast %broadcast_in_dim3A : f32 to vector<16xf32>
    %scan3A = arith.constant 0 : i32
    %scan3A_6 = arith.constant 0 : i32
    %scan3A_7 = arith.constant 32 : i32
    %scan3A_8 = arith.addi %scan3A_6, %scan3A_7 : i32
    %scan3A_9 = arith.constant 1 : i32
    %scan3A_10 = scf.for %scan3A_12 = %scan3A_6 to %scan3A_8 step %scan3A_9 iter_args(%scan3A_13 = %scan3A) -> (i32)  : i32 {
      %add3A_14 = arith.addi %mul3A_2, %scan3A_12 : i32
      "tpu.region"() ({
        %run_scoped3A = tpu.sem_alloc : memref<!tpu.dma_semaphore, #tpu.memory_space<semaphore_mem>>
        %dma_start3A = arith.constant 0 : i32
        %dma_start3A_132 = tpu.memref_slice %arg2[%add3A_14, %dma_start3A] : memref<1024x8192xf32, #tpu.memory_space<hbm>> -> memref<1x8192xf32, #tpu.memory_space<hbm>>
        %dma_start3A_133 = tpu.memref_squeeze %dma_start3A_132 : memref<1x8192xf32, #tpu.memory_space<hbm>> -> memref<8192xf32, #tpu.memory_space<hbm>>
        %dma_start3A_134 = arith.constant 0 : i32
        %dma_start3A_135 = tpu.memref_slice %arg2[%add3A_14, %dma_start3A_134] : memref<1024x8192xf32, #tpu.memory_space<hbm>> -> memref<1x8192xf32, #tpu.memory_space<hbm>>
        %dma_start3A_136 = tpu.memref_squeeze %dma_start3A_135 : memref<1x8192xf32, #tpu.memory_space<hbm>> -> memref<8192xf32, #tpu.memory_space<hbm>>
        tpu.enqueue_dma source(%dma_start3A_136 : memref<8192xf32, #tpu.memory_space<hbm>>) target(%arg5 : memref<8192xf32, #tpu.memory_space<vmem>>) target_semaphore(%run_scoped3A : memref<!tpu.dma_semaphore, #tpu.memory_space<semaphore_mem>>)
        %dma_wait3A = arith.constant 0 : i32
        %dma_wait3A_137 = tpu.memref_slice %arg2[%add3A_14, %dma_wait3A] : memref<1024x8192xf32, #tpu.memory_space<hbm>> -> memref<1x8192xf32, #tpu.memory_space<hbm>>
        %dma_wait3A_138 = tpu.memref_squeeze %dma_wait3A_137 : memref<1x8192xf32, #tpu.memory_space<hbm>> -> memref<8192xf32, #tpu.memory_space<hbm>>
        %dma_wait3A_139 = arith.constant 0 : i32
        %dma_wait3A_140 = tpu.memref_slice %arg2[%add3A_14, %dma_wait3A_139] : memref<1024x8192xf32, #tpu.memory_space<hbm>> -> memref<1x8192xf32, #tpu.memory_space<hbm>>
        %dma_wait3A_141 = tpu.memref_squeeze %dma_wait3A_140 : memref<1x8192xf32, #tpu.memory_space<hbm>> -> memref<8192xf32, #tpu.memory_space<hbm>>
        tpu.wait_dma2 semaphore(%run_scoped3A : memref<!tpu.dma_semaphore, #tpu.memory_space<semaphore_mem>>) src(%dma_wait3A_141 : memref<8192xf32, #tpu.memory_space<hbm>>) dst(%arg5 : memref<8192xf32, #tpu.memory_space<vmem>>)
        tpu.yield
      }) : () -> ()
      %broadcast_in_dim3A_15 = arith.constant -2.000000e+00 : f32
      %broadcast_in_dim3A_16 = vector.broadcast %broadcast_in_dim3A_15 : f32 to vector<16xf32>
      %scan3A_17 = arith.constant 0 : i32
      %scan3A_18 = arith.constant 16 : i32
      %scan3A_19 = arith.addi %scan3A_17, %scan3A_18 : i32
      %scan3A_20 = arith.constant 1 : i32
      %scan3A_21 = scf.for %scan3A_132 = %scan3A_17 to %scan3A_19 step %scan3A_20 iter_args(%scan3A_133 = %broadcast_in_dim3A_16) -> (vector<16xf32>)  : i32 {
        %mul3A_134 = arith.constant 8 : i32
        %mul3A_135 = arith.muli %scan3A_132, %mul3A_134 : i32
        %add3A_136 = arith.constant 0 : i32
        %add3A_137 = arith.addi %add3A_136, %mul3A_135 : i32
        %add3A_138 = arith.constant 0 : i32
        %add3A_139 = arith.addi %add3A_137, %add3A_138 : i32
        %mul3A_140 = arith.constant 16 : i32
        %mul3A_141 = arith.muli %add3A_139, %mul3A_140 : i32
        %get3A_142 = arith.index_cast %mul3A_141 : i32 to index
        %get3A_143 = tpu.vector_load %arg5[%get3A_142] {strides = array<i32>} : memref<8192xf32, #tpu.memory_space<vmem>>, vector<16xf32>,
        %max3A = arith.maximumf %scan3A_133, %get3A_143 : vector<16xf32>
        %mul3A_144 = arith.constant 8 : i32
        %mul3A_145 = arith.muli %scan3A_132, %mul3A_144 : i32
        %add3A_146 = arith.constant 0 : i32
        %add3A_147 = arith.addi %add3A_146, %mul3A_145 : i32
        %add3A_148 = arith.constant 1 : i32
        %add3A_149 = arith.addi %add3A_147, %add3A_148 : i32
        %mul3A_150 = arith.constant 16 : i32
        %mul3A_151 = arith.muli %add3A_149, %mul3A_150 : i32
        %get3A_152 = arith.index_cast %mul3A_151 : i32 to index
        %get3A_153 = tpu.vector_load %arg5[%get3A_152] {strides = array<i32>} : memref<8192xf32, #tpu.memory_space<vmem>>, vector<16xf32>,
        %max3A_154 = arith.maximumf %max3A, %get3A_153 : vector<16xf32>
        %mul3A_155 = arith.constant 8 : i32
        %mul3A_156 = arith.muli %scan3A_132, %mul3A_155 : i32
        %add3A_157 = arith.constant 0 : i32
        %add3A_158 = arith.addi %add3A_157, %mul3A_156 : i32
        %add3A_159 = arith.constant 2 : i32
        %add3A_160 = arith.addi %add3A_158, %add3A_159 : i32
        %mul3A_161 = arith.constant 16 : i32
        %mul3A_162 = arith.muli %add3A_160, %mul3A_161 : i32
        %get3A_163 = arith.index_cast %mul3A_162 : i32 to index
        %get3A_164 = tpu.vector_load %arg5[%get3A_163] {strides = array<i32>} : memref<8192xf32, #tpu.memory_space<vmem>>, vector<16xf32>,
        %max3A_165 = arith.maximumf %max3A_154, %get3A_164 : vector<16xf32>
        %mul3A_166 = arith.constant 8 : i32
        %mul3A_167 = arith.muli %scan3A_132, %mul3A_166 : i32
        %add3A_168 = arith.constant 0 : i32
        %add3A_169 = arith.addi %add3A_168, %mul3A_167 : i32
        %add3A_170 = arith.constant 3 : i32
        %add3A_171 = arith.addi %add3A_169, %add3A_170 : i32
        %mul3A_172 = arith.constant 16 : i32
        %mul3A_173 = arith.muli %add3A_171, %mul3A_172 : i32
        %get3A_174 = arith.index_cast %mul3A_173 : i32 to index
        %get3A_175 = tpu.vector_load %arg5[%get3A_174] {strides = array<i32>} : memref<8192xf32, #tpu.memory_space<vmem>>, vector<16xf32>,
        %max3A_176 = arith.maximumf %max3A_165, %get3A_175 : vector<16xf32>
        %mul3A_177 = arith.constant 8 : i32
        %mul3A_178 = arith.muli %scan3A_132, %mul3A_177 : i32
        %add3A_179 = arith.constant 0 : i32
        %add3A_180 = arith.addi %add3A_179, %mul3A_178 : i32
        %add3A_181 = arith.constant 4 : i32
        %add3A_182 = arith.addi %add3A_180, %add3A_181 : i32
        %mul3A_183 = arith.constant 16 : i32
        %mul3A_184 = arith.muli %add3A_182, %mul3A_183 : i32
        %get3A_185 = arith.index_cast %mul3A_184 : i32 to index
        %get3A_186 = tpu.vector_load %arg5[%get3A_185] {strides = array<i32>} : memref<8192xf32, #tpu.memory_space<vmem>>, vector<16xf32>,
        %max3A_187 = arith.maximumf %max3A_176, %get3A_186 : vector<16xf32>
        %mul3A_188 = arith.constant 8 : i32
        %mul3A_189 = arith.muli %scan3A_132, %mul3A_188 : i32
        %add3A_190 = arith.constant 0 : i32
        %add3A_191 = arith.addi %add3A_190, %mul3A_189 : i32
        %add3A_192 = arith.constant 5 : i32
        %add3A_193 = arith.addi %add3A_191, %add3A_192 : i32
        %mul3A_194 = arith.constant 16 : i32
        %mul3A_195 = arith.muli %add3A_193, %mul3A_194 : i32
        %get3A_196 = arith.index_cast %mul3A_195 : i32 to index
        %get3A_197 = tpu.vector_load %arg5[%get3A_196] {strides = array<i32>} : memref<8192xf32, #tpu.memory_space<vmem>>, vector<16xf32>,
        %max3A_198 = arith.maximumf %max3A_187, %get3A_197 : vector<16xf32>
        %mul3A_199 = arith.constant 8 : i32
        %mul3A_200 = arith.muli %scan3A_132, %mul3A_199 : i32
        %add3A_201 = arith.constant 0 : i32
        %add3A_202 = arith.addi %add3A_201, %mul3A_200 : i32
        %add3A_203 = arith.constant 6 : i32
        %add3A_204 = arith.addi %add3A_202, %add3A_203 : i32
        %mul3A_205 = arith.constant 16 : i32
        %mul3A_206 = arith.muli %add3A_204, %mul3A_205 : i32
        %get3A_207 = arith.index_cast %mul3A_206 : i32 to index
        %get3A_208 = tpu.vector_load %arg5[%get3A_207] {strides = array<i32>} : memref<8192xf32, #tpu.memory_space<vmem>>, vector<16xf32>,
        %max3A_209 = arith.maximumf %max3A_198, %get3A_208 : vector<16xf32>
        %mul3A_210 = arith.constant 8 : i32
        %mul3A_211 = arith.muli %scan3A_132, %mul3A_210 : i32
        %add3A_212 = arith.constant 0 : i32
        %add3A_213 = arith.addi %add3A_212, %mul3A_211 : i32
        %add3A_214 = arith.constant 7 : i32
        %add3A_215 = arith.addi %add3A_213, %add3A_214 : i32
        %mul3A_216 = arith.constant 16 : i32
        %mul3A_217 = arith.muli %add3A_215, %mul3A_216 : i32
        %get3A_218 = arith.index_cast %mul3A_217 : i32 to index
        %get3A_219 = tpu.vector_load %arg5[%get3A_218] {strides = array<i32>} : memref<8192xf32, #tpu.memory_space<vmem>>, vector<16xf32>,
        %max3A_220 = arith.maximumf %max3A_209, %get3A_219 : vector<16xf32>
        scf.yield %max3A_220 : vector<16xf32>
      }
      %scan3A_22 = arith.constant 16 : i32
      %broadcast_in_dim3A_23 = arith.constant -2.000000e+00 : f32
      %broadcast_in_dim3A_24 = vector.broadcast %broadcast_in_dim3A_23 : f32 to vector<16xf32>
      %scan3A_25 = arith.constant 0 : i32
      %scan3A_26 = arith.constant 16 : i32
      %scan3A_27 = arith.addi %scan3A_25, %scan3A_26 : i32
      %scan3A_28 = arith.constant 1 : i32
      %scan3A_29 = scf.for %scan3A_132 = %scan3A_25 to %scan3A_27 step %scan3A_28 iter_args(%scan3A_133 = %broadcast_in_dim3A_24) -> (vector<16xf32>)  : i32 {
        %mul3A_134 = arith.constant 8 : i32
        %mul3A_135 = arith.muli %scan3A_132, %mul3A_134 : i32
        %add3A_136 = arith.constant 128 : i32
        %add3A_137 = arith.addi %add3A_136, %mul3A_135 : i32
        %add3A_138 = arith.constant 0 : i32
        %add3A_139 = arith.addi %add3A_137, %add3A_138 : i32
        %mul3A_140 = arith.constant 16 : i32
        %mul3A_141 = arith.muli %add3A_139, %mul3A_140 : i32
        %get3A_142 = arith.index_cast %mul3A_141 : i32 to index
        %get3A_143 = tpu.vector_load %arg5[%get3A_142] {strides = array<i32>} : memref<8192xf32, #tpu.memory_space<vmem>>, vector<16xf32>,
        %max3A = arith.maximumf %scan3A_133, %get3A_143 : vector<16xf32>
        %mul3A_144 = arith.constant 8 : i32
        %mul3A_145 = arith.muli %scan3A_132, %mul3A_144 : i32
        %add3A_146 = arith.constant 128 : i32
        %add3A_147 = arith.addi %add3A_146, %mul3A_145 : i32
        %add3A_148 = arith.constant 1 : i32
        %add3A_149 = arith.addi %add3A_147, %add3A_148 : i32
        %mul3A_150 = arith.constant 16 : i32
        %mul3A_151 = arith.muli %add3A_149, %mul3A_150 : i32
        %get3A_152 = arith.index_cast %mul3A_151 : i32 to index
        %get3A_153 = tpu.vector_load %arg5[%get3A_152] {strides = array<i32>} : memref<8192xf32, #tpu.memory_space<vmem>>, vector<16xf32>,
        %max3A_154 = arith.maximumf %max3A, %get3A_153 : vector<16xf32>
        %mul3A_155 = arith.constant 8 : i32
        %mul3A_156 = arith.muli %scan3A_132, %mul3A_155 : i32
        %add3A_157 = arith.constant 128 : i32
        %add3A_158 = arith.addi %add3A_157, %mul3A_156 : i32
        %add3A_159 = arith.constant 2 : i32
        %add3A_160 = arith.addi %add3A_158, %add3A_159 : i32
        %mul3A_161 = arith.constant 16 : i32
        %mul3A_162 = arith.muli %add3A_160, %mul3A_161 : i32
        %get3A_163 = arith.index_cast %mul3A_162 : i32 to index
        %get3A_164 = tpu.vector_load %arg5[%get3A_163] {strides = array<i32>} : memref<8192xf32, #tpu.memory_space<vmem>>, vector<16xf32>,
        %max3A_165 = arith.maximumf %max3A_154, %get3A_164 : vector<16xf32>
        %mul3A_166 = arith.constant 8 : i32
        %mul3A_167 = arith.muli %scan3A_132, %mul3A_166 : i32
        %add3A_168 = arith.constant 128 : i32
        %add3A_169 = arith.addi %add3A_168, %mul3A_167 : i32
        %add3A_170 = arith.constant 3 : i32
        %add3A_171 = arith.addi %add3A_169, %add3A_170 : i32
        %mul3A_172 = arith.constant 16 : i32
        %mul3A_173 = arith.muli %add3A_171, %mul3A_172 : i32
        %get3A_174 = arith.index_cast %mul3A_173 : i32 to index
        %get3A_175 = tpu.vector_load %arg5[%get3A_174] {strides = array<i32>} : memref<8192xf32, #tpu.memory_space<vmem>>, vector<16xf32>,
        %max3A_176 = arith.maximumf %max3A_165, %get3A_175 : vector<16xf32>
        %mul3A_177 = arith.constant 8 : i32
        %mul3A_178 = arith.muli %scan3A_132, %mul3A_177 : i32
        %add3A_179 = arith.constant 128 : i32
        %add3A_180 = arith.addi %add3A_179, %mul3A_178 : i32
        %add3A_181 = arith.constant 4 : i32
        %add3A_182 = arith.addi %add3A_180, %add3A_181 : i32
        %mul3A_183 = arith.constant 16 : i32
        %mul3A_184 = arith.muli %add3A_182, %mul3A_183 : i32
        %get3A_185 = arith.index_cast %mul3A_184 : i32 to index
        %get3A_186 = tpu.vector_load %arg5[%get3A_185] {strides = array<i32>} : memref<8192xf32, #tpu.memory_space<vmem>>, vector<16xf32>,
        %max3A_187 = arith.maximumf %max3A_176, %get3A_186 : vector<16xf32>
        %mul3A_188 = arith.constant 8 : i32
        %mul3A_189 = arith.muli %scan3A_132, %mul3A_188 : i32
        %add3A_190 = arith.constant 128 : i32
        %add3A_191 = arith.addi %add3A_190, %mul3A_189 : i32
        %add3A_192 = arith.constant 5 : i32
        %add3A_193 = arith.addi %add3A_191, %add3A_192 : i32
        %mul3A_194 = arith.constant 16 : i32
        %mul3A_195 = arith.muli %add3A_193, %mul3A_194 : i32
        %get3A_196 = arith.index_cast %mul3A_195 : i32 to index
        %get3A_197 = tpu.vector_load %arg5[%get3A_196] {strides = array<i32>} : memref<8192xf32, #tpu.memory_space<vmem>>, vector<16xf32>,
        %max3A_198 = arith.maximumf %max3A_187, %get3A_197 : vector<16xf32>
        %mul3A_199 = arith.constant 8 : i32
        %mul3A_200 = arith.muli %scan3A_132, %mul3A_199 : i32
        %add3A_201 = arith.constant 128 : i32
        %add3A_202 = arith.addi %add3A_201, %mul3A_200 : i32
        %add3A_203 = arith.constant 6 : i32
        %add3A_204 = arith.addi %add3A_202, %add3A_203 : i32
        %mul3A_205 = arith.constant 16 : i32
        %mul3A_206 = arith.muli %add3A_204, %mul3A_205 : i32
        %get3A_207 = arith.index_cast %mul3A_206 : i32 to index
        %get3A_208 = tpu.vector_load %arg5[%get3A_207] {strides = array<i32>} : memref<8192xf32, #tpu.memory_space<vmem>>, vector<16xf32>,
        %max3A_209 = arith.maximumf %max3A_198, %get3A_208 : vector<16xf32>
        %mul3A_210 = arith.constant 8 : i32
        %mul3A_211 = arith.muli %scan3A_132, %mul3A_210 : i32
        %add3A_212 = arith.constant 128 : i32
        %add3A_213 = arith.addi %add3A_212, %mul3A_211 : i32
        %add3A_214 = arith.constant 7 : i32
        %add3A_215 = arith.addi %add3A_213, %add3A_214 : i32
        %mul3A_216 = arith.constant 16 : i32
        %mul3A_217 = arith.muli %add3A_215, %mul3A_216 : i32
        %get3A_218 = arith.index_cast %mul3A_217 : i32 to index
        %get3A_219 = tpu.vector_load %arg5[%get3A_218] {strides = array<i32>} : memref<8192xf32, #tpu.memory_space<vmem>>, vector<16xf32>,
        %max3A_220 = arith.maximumf %max3A_209, %get3A_219 : vector<16xf32>
        scf.yield %max3A_220 : vector<16xf32>
      }
      %scan3A_30 = arith.constant 16 : i32
      %min3A = arith.minimumf %scan3A_21, %scan3A_29 : vector<16xf32>
      %broadcast_in_dim3A_31 = arith.constant -2.000000e+00 : f32
      %broadcast_in_dim3A_32 = vector.broadcast %broadcast_in_dim3A_31 : f32 to vector<16xf32>
      %scan3A_33 = arith.constant 0 : i32
      %scan3A_34 = arith.constant 16 : i32
      %scan3A_35 = arith.addi %scan3A_33, %scan3A_34 : i32
      %scan3A_36 = arith.constant 1 : i32
      %scan3A_37 = scf.for %scan3A_132 = %scan3A_33 to %scan3A_35 step %scan3A_36 iter_args(%scan3A_133 = %broadcast_in_dim3A_32) -> (vector<16xf32>)  : i32 {
        %mul3A_134 = arith.constant 8 : i32
        %mul3A_135 = arith.muli %scan3A_132, %mul3A_134 : i32
        %add3A_136 = arith.constant 256 : i32
        %add3A_137 = arith.addi %add3A_136, %mul3A_135 : i32
        %add3A_138 = arith.constant 0 : i32
        %add3A_139 = arith.addi %add3A_137, %add3A_138 : i32
        %mul3A_140 = arith.constant 16 : i32
        %mul3A_141 = arith.muli %add3A_139, %mul3A_140 : i32
        %get3A_142 = arith.index_cast %mul3A_141 : i32 to index
        %get3A_143 = tpu.vector_load %arg5[%get3A_142] {strides = array<i32>} : memref<8192xf32, #tpu.memory_space<vmem>>, vector<16xf32>,
        %max3A = arith.maximumf %scan3A_133, %get3A_143 : vector<16xf32>
        %mul3A_144 = arith.constant 8 : i32
        %mul3A_145 = arith.muli %scan3A_132, %mul3A_144 : i32
        %add3A_146 = arith.constant 256 : i32
        %add3A_147 = arith.addi %add3A_146, %mul3A_145 : i32
        %add3A_148 = arith.constant 1 : i32
        %add3A_149 = arith.addi %add3A_147, %add3A_148 : i32
        %mul3A_150 = arith.constant 16 : i32
        %mul3A_151 = arith.muli %add3A_149, %mul3A_150 : i32
        %get3A_152 = arith.index_cast %mul3A_151 : i32 to index
        %get3A_153 = tpu.vector_load %arg5[%get3A_152] {strides = array<i32>} : memref<8192xf32, #tpu.memory_space<vmem>>, vector<16xf32>,
        %max3A_154 = arith.maximumf %max3A, %get3A_153 : vector<16xf32>
        %mul3A_155 = arith.constant 8 : i32
        %mul3A_156 = arith.muli %scan3A_132, %mul3A_155 : i32
        %add3A_157 = arith.constant 256 : i32
        %add3A_158 = arith.addi %add3A_157, %mul3A_156 : i32
        %add3A_159 = arith.constant 2 : i32
        %add3A_160 = arith.addi %add3A_158, %add3A_159 : i32
        %mul3A_161 = arith.constant 16 : i32
        %mul3A_162 = arith.muli %add3A_160, %mul3A_161 : i32
        %get3A_163 = arith.index_cast %mul3A_162 : i32 to index
        %get3A_164 = tpu.vector_load %arg5[%get3A_163] {strides = array<i32>} : memref<8192xf32, #tpu.memory_space<vmem>>, vector<16xf32>,
        %max3A_165 = arith.maximumf %max3A_154, %get3A_164 : vector<16xf32>
        %mul3A_166 = arith.constant 8 : i32
        %mul3A_167 = arith.muli %scan3A_132, %mul3A_166 : i32
        %add3A_168 = arith.constant 256 : i32
        %add3A_169 = arith.addi %add3A_168, %mul3A_167 : i32
        %add3A_170 = arith.constant 3 : i32
        %add3A_171 = arith.addi %add3A_169, %add3A_170 : i32
        %mul3A_172 = arith.constant 16 : i32
        %mul3A_173 = arith.muli %add3A_171, %mul3A_172 : i32
        %get3A_174 = arith.index_cast %mul3A_173 : i32 to index
        %get3A_175 = tpu.vector_load %arg5[%get3A_174] {strides = array<i32>} : memref<8192xf32, #tpu.memory_space<vmem>>, vector<16xf32>,
        %max3A_176 = arith.maximumf %max3A_165, %get3A_175 : vector<16xf32>
        %mul3A_177 = arith.constant 8 : i32
        %mul3A_178 = arith.muli %scan3A_132, %mul3A_177 : i32
        %add3A_179 = arith.constant 256 : i32
        %add3A_180 = arith.addi %add3A_179, %mul3A_178 : i32
        %add3A_181 = arith.constant 4 : i32
        %add3A_182 = arith.addi %add3A_180, %add3A_181 : i32
        %mul3A_183 = arith.constant 16 : i32
        %mul3A_184 = arith.muli %add3A_182, %mul3A_183 : i32
        %get3A_185 = arith.index_cast %mul3A_184 : i32 to index
        %get3A_186 = tpu.vector_load %arg5[%get3A_185] {strides = array<i32>} : memref<8192xf32, #tpu.memory_space<vmem>>, vector<16xf32>,
        %max3A_187 = arith.maximumf %max3A_176, %get3A_186 : vector<16xf32>
        %mul3A_188 = arith.constant 8 : i32
        %mul3A_189 = arith.muli %scan3A_132, %mul3A_188 : i32
        %add3A_190 = arith.constant 256 : i32
        %add3A_191 = arith.addi %add3A_190, %mul3A_189 : i32
        %add3A_192 = arith.constant 5 : i32
        %add3A_193 = arith.addi %add3A_191, %add3A_192 : i32
        %mul3A_194 = arith.constant 16 : i32
        %mul3A_195 = arith.muli %add3A_193, %mul3A_194 : i32
        %get3A_196 = arith.index_cast %mul3A_195 : i32 to index
        %get3A_197 = tpu.vector_load %arg5[%get3A_196] {strides = array<i32>} : memref<8192xf32, #tpu.memory_space<vmem>>, vector<16xf32>,
        %max3A_198 = arith.maximumf %max3A_187, %get3A_197 : vector<16xf32>
        %mul3A_199 = arith.constant 8 : i32
        %mul3A_200 = arith.muli %scan3A_132, %mul3A_199 : i32
        %add3A_201 = arith.constant 256 : i32
        %add3A_202 = arith.addi %add3A_201, %mul3A_200 : i32
        %add3A_203 = arith.constant 6 : i32
        %add3A_204 = arith.addi %add3A_202, %add3A_203 : i32
        %mul3A_205 = arith.constant 16 : i32
        %mul3A_206 = arith.muli %add3A_204, %mul3A_205 : i32
        %get3A_207 = arith.index_cast %mul3A_206 : i32 to index
        %get3A_208 = tpu.vector_load %arg5[%get3A_207] {strides = array<i32>} : memref<8192xf32, #tpu.memory_space<vmem>>, vector<16xf32>,
        %max3A_209 = arith.maximumf %max3A_198, %get3A_208 : vector<16xf32>
        %mul3A_210 = arith.constant 8 : i32
        %mul3A_211 = arith.muli %scan3A_132, %mul3A_210 : i32
        %add3A_212 = arith.constant 256 : i32
        %add3A_213 = arith.addi %add3A_212, %mul3A_211 : i32
        %add3A_214 = arith.constant 7 : i32
        %add3A_215 = arith.addi %add3A_213, %add3A_214 : i32
        %mul3A_216 = arith.constant 16 : i32
        %mul3A_217 = arith.muli %add3A_215, %mul3A_216 : i32
        %get3A_218 = arith.index_cast %mul3A_217 : i32 to index
        %get3A_219 = tpu.vector_load %arg5[%get3A_218] {strides = array<i32>} : memref<8192xf32, #tpu.memory_space<vmem>>, vector<16xf32>,
        %max3A_220 = arith.maximumf %max3A_209, %get3A_219 : vector<16xf32>
        scf.yield %max3A_220 : vector<16xf32>
      }
      %scan3A_38 = arith.constant 16 : i32
      %broadcast_in_dim3A_39 = arith.constant -2.000000e+00 : f32
      %broadcast_in_dim3A_40 = vector.broadcast %broadcast_in_dim3A_39 : f32 to vector<16xf32>
      %scan3A_41 = arith.constant 0 : i32
      %scan3A_42 = arith.constant 16 : i32
      %scan3A_43 = arith.addi %scan3A_41, %scan3A_42 : i32
      %scan3A_44 = arith.constant 1 : i32
      %scan3A_45 = scf.for %scan3A_132 = %scan3A_41 to %scan3A_43 step %scan3A_44 iter_args(%scan3A_133 = %broadcast_in_dim3A_40) -> (vector<16xf32>)  : i32 {
        %mul3A_134 = arith.constant 8 : i32
        %mul3A_135 = arith.muli %scan3A_132, %mul3A_134 : i32
        %add3A_136 = arith.constant 384 : i32
        %add3A_137 = arith.addi %add3A_136, %mul3A_135 : i32
        %add3A_138 = arith.constant 0 : i32
        %add3A_139 = arith.addi %add3A_137, %add3A_138 : i32
        %mul3A_140 = arith.constant 16 : i32
        %mul3A_141 = arith.muli %add3A_139, %mul3A_140 : i32
        %get3A_142 = arith.index_cast %mul3A_141 : i32 to index
        %get3A_143 = tpu.vector_load %arg5[%get3A_142] {strides = array<i32>} : memref<8192xf32, #tpu.memory_space<vmem>>, vector<16xf32>,
        %max3A = arith.maximumf %scan3A_133, %get3A_143 : vector<16xf32>
        %mul3A_144 = arith.constant 8 : i32
        %mul3A_145 = arith.muli %scan3A_132, %mul3A_144 : i32
        %add3A_146 = arith.constant 384 : i32
        %add3A_147 = arith.addi %add3A_146, %mul3A_145 : i32
        %add3A_148 = arith.constant 1 : i32
        %add3A_149 = arith.addi %add3A_147, %add3A_148 : i32
        %mul3A_150 = arith.constant 16 : i32
        %mul3A_151 = arith.muli %add3A_149, %mul3A_150 : i32
        %get3A_152 = arith.index_cast %mul3A_151 : i32 to index
        %get3A_153 = tpu.vector_load %arg5[%get3A_152] {strides = array<i32>} : memref<8192xf32, #tpu.memory_space<vmem>>, vector<16xf32>,
        %max3A_154 = arith.maximumf %max3A, %get3A_153 : vector<16xf32>
        %mul3A_155 = arith.constant 8 : i32
        %mul3A_156 = arith.muli %scan3A_132, %mul3A_155 : i32
        %add3A_157 = arith.constant 384 : i32
        %add3A_158 = arith.addi %add3A_157, %mul3A_156 : i32
        %add3A_159 = arith.constant 2 : i32
        %add3A_160 = arith.addi %add3A_158, %add3A_159 : i32
        %mul3A_161 = arith.constant 16 : i32
        %mul3A_162 = arith.muli %add3A_160, %mul3A_161 : i32
        %get3A_163 = arith.index_cast %mul3A_162 : i32 to index
        %get3A_164 = tpu.vector_load %arg5[%get3A_163] {strides = array<i32>} : memref<8192xf32, #tpu.memory_space<vmem>>, vector<16xf32>,
        %max3A_165 = arith.maximumf %max3A_154, %get3A_164 : vector<16xf32>
        %mul3A_166 = arith.constant 8 : i32
        %mul3A_167 = arith.muli %scan3A_132, %mul3A_166 : i32
        %add3A_168 = arith.constant 384 : i32
        %add3A_169 = arith.addi %add3A_168, %mul3A_167 : i32
        %add3A_170 = arith.constant 3 : i32
        %add3A_171 = arith.addi %add3A_169, %add3A_170 : i32
        %mul3A_172 = arith.constant 16 : i32
        %mul3A_173 = arith.muli %add3A_171, %mul3A_172 : i32
        %get3A_174 = arith.index_cast %mul3A_173 : i32 to index
        %get3A_175 = tpu.vector_load %arg5[%get3A_174] {strides = array<i32>} : memref<8192xf32, #tpu.memory_space<vmem>>, vector<16xf32>,
        %max3A_176 = arith.maximumf %max3A_165, %get3A_175 : vector<16xf32>
        %mul3A_177 = arith.constant 8 : i32
        %mul3A_178 = arith.muli %scan3A_132, %mul3A_177 : i32
        %add3A_179 = arith.constant 384 : i32
        %add3A_180 = arith.addi %add3A_179, %mul3A_178 : i32
        %add3A_181 = arith.constant 4 : i32
        %add3A_182 = arith.addi %add3A_180, %add3A_181 : i32
        %mul3A_183 = arith.constant 16 : i32
        %mul3A_184 = arith.muli %add3A_182, %mul3A_183 : i32
        %get3A_185 = arith.index_cast %mul3A_184 : i32 to index
        %get3A_186 = tpu.vector_load %arg5[%get3A_185] {strides = array<i32>} : memref<8192xf32, #tpu.memory_space<vmem>>, vector<16xf32>,
        %max3A_187 = arith.maximumf %max3A_176, %get3A_186 : vector<16xf32>
        %mul3A_188 = arith.constant 8 : i32
        %mul3A_189 = arith.muli %scan3A_132, %mul3A_188 : i32
        %add3A_190 = arith.constant 384 : i32
        %add3A_191 = arith.addi %add3A_190, %mul3A_189 : i32
        %add3A_192 = arith.constant 5 : i32
        %add3A_193 = arith.addi %add3A_191, %add3A_192 : i32
        %mul3A_194 = arith.constant 16 : i32
        %mul3A_195 = arith.muli %add3A_193, %mul3A_194 : i32
        %get3A_196 = arith.index_cast %mul3A_195 : i32 to index
        %get3A_197 = tpu.vector_load %arg5[%get3A_196] {strides = array<i32>} : memref<8192xf32, #tpu.memory_space<vmem>>, vector<16xf32>,
        %max3A_198 = arith.maximumf %max3A_187, %get3A_197 : vector<16xf32>
        %mul3A_199 = arith.constant 8 : i32
        %mul3A_200 = arith.muli %scan3A_132, %mul3A_199 : i32
        %add3A_201 = arith.constant 384 : i32
        %add3A_202 = arith.addi %add3A_201, %mul3A_200 : i32
        %add3A_203 = arith.constant 6 : i32
        %add3A_204 = arith.addi %add3A_202, %add3A_203 : i32
        %mul3A_205 = arith.constant 16 : i32
        %mul3A_206 = arith.muli %add3A_204, %mul3A_205 : i32
        %get3A_207 = arith.index_cast %mul3A_206 : i32 to index
        %get3A_208 = tpu.vector_load %arg5[%get3A_207] {strides = array<i32>} : memref<8192xf32, #tpu.memory_space<vmem>>, vector<16xf32>,
        %max3A_209 = arith.maximumf %max3A_198, %get3A_208 : vector<16xf32>
        %mul3A_210 = arith.constant 8 : i32
        %mul3A_211 = arith.muli %scan3A_132, %mul3A_210 : i32
        %add3A_212 = arith.constant 384 : i32
        %add3A_213 = arith.addi %add3A_212, %mul3A_211 : i32
        %add3A_214 = arith.constant 7 : i32
        %add3A_215 = arith.addi %add3A_213, %add3A_214 : i32
        %mul3A_216 = arith.constant 16 : i32
        %mul3A_217 = arith.muli %add3A_215, %mul3A_216 : i32
        %get3A_218 = arith.index_cast %mul3A_217 : i32 to index
        %get3A_219 = tpu.vector_load %arg5[%get3A_218] {strides = array<i32>} : memref<8192xf32, #tpu.memory_space<vmem>>, vector<16xf32>,
        %max3A_220 = arith.maximumf %max3A_209, %get3A_219 : vector<16xf32>
        scf.yield %max3A_220 : vector<16xf32>
      }
      %scan3A_46 = arith.constant 16 : i32
      %min3A_47 = arith.minimumf %scan3A_37, %scan3A_45 : vector<16xf32>
      %min3A_48 = arith.minimumf %min3A, %min3A_47 : vector<16xf32>
      %neg3A = arith.constant 0.000000e+00 : f32
      %neg3A_49 = vector.broadcast %neg3A : f32 to vector<16xf32>
      %neg3A_50 = arith.subf %neg3A_49, %min3A_48 : vector<16xf32>
      %broadcast_in_dim3A_51 = arith.constant true
      %broadcast_in_dim3A_52 = vector.broadcast %broadcast_in_dim3A_51 : i1 to vector<16xi1>
      %masked_cummax3A = tpu.scan <max>, %neg3A_50 masked %broadcast_in_dim3A_52 : vector<16xf32>, vector<16xi1> -> vector<16xf32>
      %slice3A = vector.extract_strided_slice %masked_cummax3A {offsets = [15], sizes = [1], strides = [1]} : vector<16xf32> to vector<1xf32>
      %squeeze3A = vector.extract %slice3A[0] : f32 from vector<1xf32>
      %neg3A_53 = arith.constant 0.000000e+00 : f32
      %neg3A_54 = arith.subf %neg3A_53, %squeeze3A : f32
      %scan3A_55 = arith.constant 0 : i32
      %scan3A_56 = arith.constant 0 : i32
      %scan3A_57 = arith.constant 64 : i32
      %scan3A_58 = arith.addi %scan3A_56, %scan3A_57 : i32
      %scan3A_59 = arith.constant 1 : i32
      %scan3A_60 = scf.for %scan3A_132 = %scan3A_56 to %scan3A_58 step %scan3A_59 iter_args(%scan3A_133 = %scan3A_55) -> (i32)  : i32 {
        %mul3A_134 = arith.constant 8 : i32
        %mul3A_135 = arith.muli %scan3A_132, %mul3A_134 : i32
        %add3A_136 = arith.constant 0 : i32
        %add3A_137 = arith.addi %mul3A_135, %add3A_136 : i32
        %mul3A_138 = arith.constant 16 : i32
        %mul3A_139 = arith.muli %add3A_137, %mul3A_138 : i32
        %get3A_140 = arith.index_cast %mul3A_139 : i32 to index
        %get3A_141 = tpu.vector_load %arg5[%get3A_140] {strides = array<i32>} : memref<8192xf32, #tpu.memory_space<vmem>>, vector<16xf32>,
        %ge3A = vector.broadcast %neg3A_54 : f32 to vector<16xf32>
        %ge3A_142 = arith.cmpf oge, %get3A_141, %ge3A : vector<16xf32>
        %convert_element_type3A = arith.extui %ge3A_142 : vector<16xi1> to vector<16xi32>
        %broadcast_in_dim3A_143 = arith.constant true
        %broadcast_in_dim3A_144 = vector.broadcast %broadcast_in_dim3A_143 : i1 to vector<16xi1>
        %masked_cumsum3A = tpu.scan <sum>, %convert_element_type3A masked %broadcast_in_dim3A_144 : vector<16xi32>, vector<16xi1> -> vector<16xi32>
        %add3A_145 = vector.broadcast %scan3A_133 : i32 to vector<16xi32>
        %add3A_146 = arith.addi %add3A_145, %masked_cumsum3A : vector<16xi32>
        %sub3A_147 = arith.constant 1 : i32
        %sub3A_148 = vector.broadcast %sub3A_147 : i32 to vector<16xi32>
        %sub3A_149 = arith.subi %add3A_146, %sub3A_148 : vector<16xi32>
        tpu.vector_store_idx %arg6[%sub3A_149], %get3A_141 masked %ge3A_142 : memref<8256xf32, #tpu.memory_space<vmem>>[vector<16xi32>], vector<16xf32>, vector<16xi1>
        %mul3A_150 = arith.constant 16 : i32
        %mul3A_151 = arith.muli %add3A_137, %mul3A_150 : i32
        %add3A_152 = vector.broadcast %mul3A_151 : i32 to vector<16xi32>
        %add3A_153 = arith.addi %add3A_152, %iota3A : vector<16xi32>
        tpu.vector_store_idx %arg7[%sub3A_149], %add3A_153 masked %ge3A_142 : memref<8192xi32, #tpu.memory_space<vmem>>[vector<16xi32>], vector<16xi32>, vector<16xi1>
        %slice3A_154 = vector.extract_strided_slice %masked_cumsum3A {offsets = [15], sizes = [1], strides = [1]} : vector<16xi32> to vector<1xi32>
        %squeeze3A_155 = vector.extract %slice3A_154[0] : i32 from vector<1xi32>
        %add3A_156 = arith.addi %scan3A_133, %squeeze3A_155 : i32
        %mul3A_157 = arith.constant 8 : i32
        %mul3A_158 = arith.muli %scan3A_132, %mul3A_157 : i32
        %add3A_159 = arith.constant 1 : i32
        %add3A_160 = arith.addi %mul3A_158, %add3A_159 : i32
        %mul3A_161 = arith.constant 16 : i32
        %mul3A_162 = arith.muli %add3A_160, %mul3A_161 : i32
        %get3A_163 = arith.index_cast %mul3A_162 : i32 to index
        %get3A_164 = tpu.vector_load %arg5[%get3A_163] {strides = array<i32>} : memref<8192xf32, #tpu.memory_space<vmem>>, vector<16xf32>,
        %ge3A_165 = vector.broadcast %neg3A_54 : f32 to vector<16xf32>
        %ge3A_166 = arith.cmpf oge, %get3A_164, %ge3A_165 : vector<16xf32>
        %convert_element_type3A_167 = arith.extui %ge3A_166 : vector<16xi1> to vector<16xi32>
        %broadcast_in_dim3A_168 = arith.constant true
        %broadcast_in_dim3A_169 = vector.broadcast %broadcast_in_dim3A_168 : i1 to vector<16xi1>
        %masked_cumsum3A_170 = tpu.scan <sum>, %convert_element_type3A_167 masked %broadcast_in_dim3A_169 : vector<16xi32>, vector<16xi1> -> vector<16xi32>
        %add3A_171 = vector.broadcast %add3A_156 : i32 to vector<16xi32>
        %add3A_172 = arith.addi %add3A_171, %masked_cumsum3A_170 : vector<16xi32>
        %sub3A_173 = arith.constant 1 : i32
        %sub3A_174 = vector.broadcast %sub3A_173 : i32 to vector<16xi32>
        %sub3A_175 = arith.subi %add3A_172, %sub3A_174 : vector<16xi32>
        tpu.vector_store_idx %arg6[%sub3A_175], %get3A_164 masked %ge3A_166 : memref<8256xf32, #tpu.memory_space<vmem>>[vector<16xi32>], vector<16xf32>, vector<16xi1>
        %mul3A_176 = arith.constant 16 : i32
        %mul3A_177 = arith.muli %add3A_160, %mul3A_176 : i32
        %add3A_178 = vector.broadcast %mul3A_177 : i32 to vector<16xi32>
        %add3A_179 = arith.addi %add3A_178, %iota3A : vector<16xi32>
        tpu.vector_store_idx %arg7[%sub3A_175], %add3A_179 masked %ge3A_166 : memref<8192xi32, #tpu.memory_space<vmem>>[vector<16xi32>], vector<16xi32>, vector<16xi1>
        %slice3A_180 = vector.extract_strided_slice %masked_cumsum3A_170 {offsets = [15], sizes = [1], strides = [1]} : vector<16xi32> to vector<1xi32>
        %squeeze3A_181 = vector.extract %slice3A_180[0] : i32 from vector<1xi32>
        %add3A_182 = arith.addi %add3A_156, %squeeze3A_181 : i32
        %mul3A_183 = arith.constant 8 : i32
        %mul3A_184 = arith.muli %scan3A_132, %mul3A_183 : i32
        %add3A_185 = arith.constant 2 : i32
        %add3A_186 = arith.addi %mul3A_184, %add3A_185 : i32
        %mul3A_187 = arith.constant 16 : i32
        %mul3A_188 = arith.muli %add3A_186, %mul3A_187 : i32
        %get3A_189 = arith.index_cast %mul3A_188 : i32 to index
        %get3A_190 = tpu.vector_load %arg5[%get3A_189] {strides = array<i32>} : memref<8192xf32, #tpu.memory_space<vmem>>, vector<16xf32>,
        %ge3A_191 = vector.broadcast %neg3A_54 : f32 to vector<16xf32>
        %ge3A_192 = arith.cmpf oge, %get3A_190, %ge3A_191 : vector<16xf32>
        %convert_element_type3A_193 = arith.extui %ge3A_192 : vector<16xi1> to vector<16xi32>
        %broadcast_in_dim3A_194 = arith.constant true
        %broadcast_in_dim3A_195 = vector.broadcast %broadcast_in_dim3A_194 : i1 to vector<16xi1>
        %masked_cumsum3A_196 = tpu.scan <sum>, %convert_element_type3A_193 masked %broadcast_in_dim3A_195 : vector<16xi32>, vector<16xi1> -> vector<16xi32>
        %add3A_197 = vector.broadcast %add3A_182 : i32 to vector<16xi32>
        %add3A_198 = arith.addi %add3A_197, %masked_cumsum3A_196 : vector<16xi32>
        %sub3A_199 = arith.constant 1 : i32
        %sub3A_200 = vector.broadcast %sub3A_199 : i32 to vector<16xi32>
        %sub3A_201 = arith.subi %add3A_198, %sub3A_200 : vector<16xi32>
        tpu.vector_store_idx %arg6[%sub3A_201], %get3A_190 masked %ge3A_192 : memref<8256xf32, #tpu.memory_space<vmem>>[vector<16xi32>], vector<16xf32>, vector<16xi1>
        %mul3A_202 = arith.constant 16 : i32
        %mul3A_203 = arith.muli %add3A_186, %mul3A_202 : i32
        %add3A_204 = vector.broadcast %mul3A_203 : i32 to vector<16xi32>
        %add3A_205 = arith.addi %add3A_204, %iota3A : vector<16xi32>
        tpu.vector_store_idx %arg7[%sub3A_201], %add3A_205 masked %ge3A_192 : memref<8192xi32, #tpu.memory_space<vmem>>[vector<16xi32>], vector<16xi32>, vector<16xi1>
        %slice3A_206 = vector.extract_strided_slice %masked_cumsum3A_196 {offsets = [15], sizes = [1], strides = [1]} : vector<16xi32> to vector<1xi32>
        %squeeze3A_207 = vector.extract %slice3A_206[0] : i32 from vector<1xi32>
        %add3A_208 = arith.addi %add3A_182, %squeeze3A_207 : i32
        %mul3A_209 = arith.constant 8 : i32
        %mul3A_210 = arith.muli %scan3A_132, %mul3A_209 : i32
        %add3A_211 = arith.constant 3 : i32
        %add3A_212 = arith.addi %mul3A_210, %add3A_211 : i32
        %mul3A_213 = arith.constant 16 : i32
        %mul3A_214 = arith.muli %add3A_212, %mul3A_213 : i32
        %get3A_215 = arith.index_cast %mul3A_214 : i32 to index
        %get3A_216 = tpu.vector_load %arg5[%get3A_215] {strides = array<i32>} : memref<8192xf32, #tpu.memory_space<vmem>>, vector<16xf32>,
        %ge3A_217 = vector.broadcast %neg3A_54 : f32 to vector<16xf32>
        %ge3A_218 = arith.cmpf oge, %get3A_216, %ge3A_217 : vector<16xf32>
        %convert_element_type3A_219 = arith.extui %ge3A_218 : vector<16xi1> to vector<16xi32>
        %broadcast_in_dim3A_220 = arith.constant true
        %broadcast_in_dim3A_221 = vector.broadcast %broadcast_in_dim3A_220 : i1 to vector<16xi1>
        %masked_cumsum3A_222 = tpu.scan <sum>, %convert_element_type3A_219 masked %broadcast_in_dim3A_221 : vector<16xi32>, vector<16xi1> -> vector<16xi32>
        %add3A_223 = vector.broadcast %add3A_208 : i32 to vector<16xi32>
        %add3A_224 = arith.addi %add3A_223, %masked_cumsum3A_222 : vector<16xi32>
        %sub3A_225 = arith.constant 1 : i32
        %sub3A_226 = vector.broadcast %sub3A_225 : i32 to vector<16xi32>
        %sub3A_227 = arith.subi %add3A_224, %sub3A_226 : vector<16xi32>
        tpu.vector_store_idx %arg6[%sub3A_227], %get3A_216 masked %ge3A_218 : memref<8256xf32, #tpu.memory_space<vmem>>[vector<16xi32>], vector<16xf32>, vector<16xi1>
        %mul3A_228 = arith.constant 16 : i32
        %mul3A_229 = arith.muli %add3A_212, %mul3A_228 : i32
        %add3A_230 = vector.broadcast %mul3A_229 : i32 to vector<16xi32>
        %add3A_231 = arith.addi %add3A_230, %iota3A : vector<16xi32>
        tpu.vector_store_idx %arg7[%sub3A_227], %add3A_231 masked %ge3A_218 : memref<8192xi32, #tpu.memory_space<vmem>>[vector<16xi32>], vector<16xi32>, vector<16xi1>
        %slice3A_232 = vector.extract_strided_slice %masked_cumsum3A_222 {offsets = [15], sizes = [1], strides = [1]} : vector<16xi32> to vector<1xi32>
        %squeeze3A_233 = vector.extract %slice3A_232[0] : i32 from vector<1xi32>
        %add3A_234 = arith.addi %add3A_208, %squeeze3A_233 : i32
        %mul3A_235 = arith.constant 8 : i32
        %mul3A_236 = arith.muli %scan3A_132, %mul3A_235 : i32
        %add3A_237 = arith.constant 4 : i32
        %add3A_238 = arith.addi %mul3A_236, %add3A_237 : i32
        %mul3A_239 = arith.constant 16 : i32
        %mul3A_240 = arith.muli %add3A_238, %mul3A_239 : i32
        %get3A_241 = arith.index_cast %mul3A_240 : i32 to index
        %get3A_242 = tpu.vector_load %arg5[%get3A_241] {strides = array<i32>} : memref<8192xf32, #tpu.memory_space<vmem>>, vector<16xf32>,
        %ge3A_243 = vector.broadcast %neg3A_54 : f32 to vector<16xf32>
        %ge3A_244 = arith.cmpf oge, %get3A_242, %ge3A_243 : vector<16xf32>
        %convert_element_type3A_245 = arith.extui %ge3A_244 : vector<16xi1> to vector<16xi32>
        %broadcast_in_dim3A_246 = arith.constant true
        %broadcast_in_dim3A_247 = vector.broadcast %broadcast_in_dim3A_246 : i1 to vector<16xi1>
        %masked_cumsum3A_248 = tpu.scan <sum>, %convert_element_type3A_245 masked %broadcast_in_dim3A_247 : vector<16xi32>, vector<16xi1> -> vector<16xi32>
        %add3A_249 = vector.broadcast %add3A_234 : i32 to vector<16xi32>
        %add3A_250 = arith.addi %add3A_249, %masked_cumsum3A_248 : vector<16xi32>
        %sub3A_251 = arith.constant 1 : i32
        %sub3A_252 = vector.broadcast %sub3A_251 : i32 to vector<16xi32>
        %sub3A_253 = arith.subi %add3A_250, %sub3A_252 : vector<16xi32>
        tpu.vector_store_idx %arg6[%sub3A_253], %get3A_242 masked %ge3A_244 : memref<8256xf32, #tpu.memory_space<vmem>>[vector<16xi32>], vector<16xf32>, vector<16xi1>
        %mul3A_254 = arith.constant 16 : i32
        %mul3A_255 = arith.muli %add3A_238, %mul3A_254 : i32
        %add3A_256 = vector.broadcast %mul3A_255 : i32 to vector<16xi32>
        %add3A_257 = arith.addi %add3A_256, %iota3A : vector<16xi32>
        tpu.vector_store_idx %arg7[%sub3A_253], %add3A_257 masked %ge3A_244 : memref<8192xi32, #tpu.memory_space<vmem>>[vector<16xi32>], vector<16xi32>, vector<16xi1>
        %slice3A_258 = vector.extract_strided_slice %masked_cumsum3A_248 {offsets = [15], sizes = [1], strides = [1]} : vector<16xi32> to vector<1xi32>
        %squeeze3A_259 = vector.extract %slice3A_258[0] : i32 from vector<1xi32>
        %add3A_260 = arith.addi %add3A_234, %squeeze3A_259 : i32
        %mul3A_261 = arith.constant 8 : i32
        %mul3A_262 = arith.muli %scan3A_132, %mul3A_261 : i32
        %add3A_263 = arith.constant 5 : i32
        %add3A_264 = arith.addi %mul3A_262, %add3A_263 : i32
        %mul3A_265 = arith.constant 16 : i32
        %mul3A_266 = arith.muli %add3A_264, %mul3A_265 : i32
        %get3A_267 = arith.index_cast %mul3A_266 : i32 to index
        %get3A_268 = tpu.vector_load %arg5[%get3A_267] {strides = array<i32>} : memref<8192xf32, #tpu.memory_space<vmem>>, vector<16xf32>,
        %ge3A_269 = vector.broadcast %neg3A_54 : f32 to vector<16xf32>
        %ge3A_270 = arith.cmpf oge, %get3A_268, %ge3A_269 : vector<16xf32>
        %convert_element_type3A_271 = arith.extui %ge3A_270 : vector<16xi1> to vector<16xi32>
        %broadcast_in_dim3A_272 = arith.constant true
        %broadcast_in_dim3A_273 = vector.broadcast %broadcast_in_dim3A_272 : i1 to vector<16xi1>
        %masked_cumsum3A_274 = tpu.scan <sum>, %convert_element_type3A_271 masked %broadcast_in_dim3A_273 : vector<16xi32>, vector<16xi1> -> vector<16xi32>
        %add3A_275 = vector.broadcast %add3A_260 : i32 to vector<16xi32>
        %add3A_276 = arith.addi %add3A_275, %masked_cumsum3A_274 : vector<16xi32>
        %sub3A_277 = arith.constant 1 : i32
        %sub3A_278 = vector.broadcast %sub3A_277 : i32 to vector<16xi32>
        %sub3A_279 = arith.subi %add3A_276, %sub3A_278 : vector<16xi32>
        tpu.vector_store_idx %arg6[%sub3A_279], %get3A_268 masked %ge3A_270 : memref<8256xf32, #tpu.memory_space<vmem>>[vector<16xi32>], vector<16xf32>, vector<16xi1>
        %mul3A_280 = arith.constant 16 : i32
        %mul3A_281 = arith.muli %add3A_264, %mul3A_280 : i32
        %add3A_282 = vector.broadcast %mul3A_281 : i32 to vector<16xi32>
        %add3A_283 = arith.addi %add3A_282, %iota3A : vector<16xi32>
        tpu.vector_store_idx %arg7[%sub3A_279], %add3A_283 masked %ge3A_270 : memref<8192xi32, #tpu.memory_space<vmem>>[vector<16xi32>], vector<16xi32>, vector<16xi1>
        %slice3A_284 = vector.extract_strided_slice %masked_cumsum3A_274 {offsets = [15], sizes = [1], strides = [1]} : vector<16xi32> to vector<1xi32>
        %squeeze3A_285 = vector.extract %slice3A_284[0] : i32 from vector<1xi32>
        %add3A_286 = arith.addi %add3A_260, %squeeze3A_285 : i32
        %mul3A_287 = arith.constant 8 : i32
        %mul3A_288 = arith.muli %scan3A_132, %mul3A_287 : i32
        %add3A_289 = arith.constant 6 : i32
        %add3A_290 = arith.addi %mul3A_288, %add3A_289 : i32
        %mul3A_291 = arith.constant 16 : i32
        %mul3A_292 = arith.muli %add3A_290, %mul3A_291 : i32
        %get3A_293 = arith.index_cast %mul3A_292 : i32 to index
        %get3A_294 = tpu.vector_load %arg5[%get3A_293] {strides = array<i32>} : memref<8192xf32, #tpu.memory_space<vmem>>, vector<16xf32>,
        %ge3A_295 = vector.broadcast %neg3A_54 : f32 to vector<16xf32>
        %ge3A_296 = arith.cmpf oge, %get3A_294, %ge3A_295 : vector<16xf32>
        %convert_element_type3A_297 = arith.extui %ge3A_296 : vector<16xi1> to vector<16xi32>
        %broadcast_in_dim3A_298 = arith.constant true
        %broadcast_in_dim3A_299 = vector.broadcast %broadcast_in_dim3A_298 : i1 to vector<16xi1>
        %masked_cumsum3A_300 = tpu.scan <sum>, %convert_element_type3A_297 masked %broadcast_in_dim3A_299 : vector<16xi32>, vector<16xi1> -> vector<16xi32>
        %add3A_301 = vector.broadcast %add3A_286 : i32 to vector<16xi32>
        %add3A_302 = arith.addi %add3A_301, %masked_cumsum3A_300 : vector<16xi32>
        %sub3A_303 = arith.constant 1 : i32
        %sub3A_304 = vector.broadcast %sub3A_303 : i32 to vector<16xi32>
        %sub3A_305 = arith.subi %add3A_302, %sub3A_304 : vector<16xi32>
        tpu.vector_store_idx %arg6[%sub3A_305], %get3A_294 masked %ge3A_296 : memref<8256xf32, #tpu.memory_space<vmem>>[vector<16xi32>], vector<16xf32>, vector<16xi1>
        %mul3A_306 = arith.constant 16 : i32
        %mul3A_307 = arith.muli %add3A_290, %mul3A_306 : i32
        %add3A_308 = vector.broadcast %mul3A_307 : i32 to vector<16xi32>
        %add3A_309 = arith.addi %add3A_308, %iota3A : vector<16xi32>
        tpu.vector_store_idx %arg7[%sub3A_305], %add3A_309 masked %ge3A_296 : memref<8192xi32, #tpu.memory_space<vmem>>[vector<16xi32>], vector<16xi32>, vector<16xi1>
        %slice3A_310 = vector.extract_strided_slice %masked_cumsum3A_300 {offsets = [15], sizes = [1], strides = [1]} : vector<16xi32> to vector<1xi32>
        %squeeze3A_311 = vector.extract %slice3A_310[0] : i32 from vector<1xi32>
        %add3A_312 = arith.addi %add3A_286, %squeeze3A_311 : i32
        %mul3A_313 = arith.constant 8 : i32
        %mul3A_314 = arith.muli %scan3A_132, %mul3A_313 : i32
        %add3A_315 = arith.constant 7 : i32
        %add3A_316 = arith.addi %mul3A_314, %add3A_315 : i32
        %mul3A_317 = arith.constant 16 : i32
        %mul3A_318 = arith.muli %add3A_316, %mul3A_317 : i32
        %get3A_319 = arith.index_cast %mul3A_318 : i32 to index
        %get3A_320 = tpu.vector_load %arg5[%get3A_319] {strides = array<i32>} : memref<8192xf32, #tpu.memory_space<vmem>>, vector<16xf32>,
        %ge3A_321 = vector.broadcast %neg3A_54 : f32 to vector<16xf32>
        %ge3A_322 = arith.cmpf oge, %get3A_320, %ge3A_321 : vector<16xf32>
        %convert_element_type3A_323 = arith.extui %ge3A_322 : vector<16xi1> to vector<16xi32>
        %broadcast_in_dim3A_324 = arith.constant true
        %broadcast_in_dim3A_325 = vector.broadcast %broadcast_in_dim3A_324 : i1 to vector<16xi1>
        %masked_cumsum3A_326 = tpu.scan <sum>, %convert_element_type3A_323 masked %broadcast_in_dim3A_325 : vector<16xi32>, vector<16xi1> -> vector<16xi32>
        %add3A_327 = vector.broadcast %add3A_312 : i32 to vector<16xi32>
        %add3A_328 = arith.addi %add3A_327, %masked_cumsum3A_326 : vector<16xi32>
        %sub3A_329 = arith.constant 1 : i32
        %sub3A_330 = vector.broadcast %sub3A_329 : i32 to vector<16xi32>
        %sub3A_331 = arith.subi %add3A_328, %sub3A_330 : vector<16xi32>
        tpu.vector_store_idx %arg6[%sub3A_331], %get3A_320 masked %ge3A_322 : memref<8256xf32, #tpu.memory_space<vmem>>[vector<16xi32>], vector<16xf32>, vector<16xi1>
        %mul3A_332 = arith.constant 16 : i32
        %mul3A_333 = arith.muli %add3A_316, %mul3A_332 : i32
        %add3A_334 = vector.broadcast %mul3A_333 : i32 to vector<16xi32>
        %add3A_335 = arith.addi %add3A_334, %iota3A : vector<16xi32>
        tpu.vector_store_idx %arg7[%sub3A_331], %add3A_335 masked %ge3A_322 : memref<8192xi32, #tpu.memory_space<vmem>>[vector<16xi32>], vector<16xi32>, vector<16xi1>
        %slice3A_336 = vector.extract_strided_slice %masked_cumsum3A_326 {offsets = [15], sizes = [1], strides = [1]} : vector<16xi32> to vector<1xi32>
        %squeeze3A_337 = vector.extract %slice3A_336[0] : i32 from vector<1xi32>
        %add3A_338 = arith.addi %add3A_312, %squeeze3A_337 : i32
        scf.yield %add3A_338 : i32
      }
      %scan3A_61 = arith.constant 64 : i32
      %add3A_62 = arith.constant 0 : i32
      %add3A_63 = arith.addi %scan3A_60, %add3A_62 : i32
      %add3A_64 = vector.broadcast %add3A_63 : i32 to vector<16xi32>
      %add3A_65 = arith.addi %add3A_64, %iota3A : vector<16xi32>
      tpu.vector_store_idx %arg6[%add3A_65], %broadcast_in_dim3A_5 : memref<8256xf32, #tpu.memory_space<vmem>>[vector<16xi32>], vector<16xf32>,
      %add3A_66 = arith.constant 16 : i32
      %add3A_67 = arith.addi %scan3A_60, %add3A_66 : i32
      %add3A_68 = vector.broadcast %add3A_67 : i32 to vector<16xi32>
      %add3A_69 = arith.addi %add3A_68, %iota3A : vector<16xi32>
      tpu.vector_store_idx %arg6[%add3A_69], %broadcast_in_dim3A_5 : memref<8256xf32, #tpu.memory_space<vmem>>[vector<16xi32>], vector<16xf32>,
      %add3A_70 = arith.constant 32 : i32
      %add3A_71 = arith.addi %scan3A_60, %add3A_70 : i32
      %add3A_72 = vector.broadcast %add3A_71 : i32 to vector<16xi32>
      %add3A_73 = arith.addi %add3A_72, %iota3A : vector<16xi32>
      tpu.vector_store_idx %arg6[%add3A_73], %broadcast_in_dim3A_5 : memref<8256xf32, #tpu.memory_space<vmem>>[vector<16xi32>], vector<16xf32>,
      %add3A_74 = arith.constant 48 : i32
      %add3A_75 = arith.addi %scan3A_60, %add3A_74 : i32
      %add3A_76 = vector.broadcast %add3A_75 : i32 to vector<16xi32>
      %add3A_77 = arith.addi %add3A_76, %iota3A : vector<16xi32>
      tpu.vector_store_idx %arg6[%add3A_77], %broadcast_in_dim3A_5 : memref<8256xf32, #tpu.memory_space<vmem>>[vector<16xi32>], vector<16xf32>,
      %add3A_78 = arith.constant 64 : i32
      %add3A_79 = arith.addi %scan3A_60, %add3A_78 : i32
      %sub3A = arith.constant 1 : i32
      %sub3A_80 = arith.subi %add3A_79, %sub3A : i32
      %jit3A = arith.constant 64 : i32
      %div3A = arith.divsi %sub3A_80, %jit3A : i32
      %sign3A = arith.constant 0 : i32
      %sign3A_81 = arith.cmpi sgt, %sub3A_80, %sign3A : i32
      %sign3A_82 = arith.extui %sign3A_81 : i1 to i32
      %sign3A_83 = arith.constant 0 : i32
      %sign3A_84 = arith.cmpi slt, %sub3A_80, %sign3A_83 : i32
      %sign3A_85 = arith.extui %sign3A_84 : i1 to i32
      %sign3A_86 = arith.subi %sign3A_82, %sign3A_85 : i32
      %sign3A_87 = arith.constant 0 : i32
      %sign3A_88 = arith.cmpi sgt, %jit3A, %sign3A_87 : i32
      %sign3A_89 = arith.extui %sign3A_88 : i1 to i32
      %sign3A_90 = arith.constant 0 : i32
      %sign3A_91 = arith.cmpi slt, %jit3A, %sign3A_90 : i32
      %sign3A_92 = arith.extui %sign3A_91 : i1 to i32
      %sign3A_93 = arith.subi %sign3A_89, %sign3A_92 : i32
      %ne3A = arith.cmpi ne, %sign3A_86, %sign3A_93 : i32
      %rem3A = arith.remsi %sub3A_80, %jit3A : i32
      %ne3A_94 = arith.constant 0 : i32
      %ne3A_95 = arith.cmpi ne, %rem3A, %ne3A_94 : i32
      %and3A = arith.andi %ne3A, %ne3A_95 : i1
      %sub3A_96 = arith.constant 1 : i32
      %sub3A_97 = arith.subi %div3A, %sub3A_96 : i32
      %select_n3A = arith.select %and3A, %sub3A_97, %div3A : i32
      %broadcast_in_dim3A_98 = arith.constant 1073741824 : i32
      %broadcast_in_dim3A_99 = vector.broadcast %broadcast_in_dim3A_98 : i32 to vector<16xi32>
      %scan3A_100 = arith.constant 0.000000e+00 : f32
      %scan3A_101 = arith.constant 0 : i32
      %scan3A_102 = arith.constant 64 : i32
      %scan3A_103 = arith.addi %scan3A_101, %scan3A_102 : i32
      %scan3A_104 = arith.constant 1 : i32
      %scan3A_105 = scf.for %scan3A_132 = %scan3A_101 to %scan3A_103 step %scan3A_104 iter_args(%scan3A_133 = %scan3A_100) -> (f32)  : i32 {
        %broadcast_in_dim3A_134 = arith.constant -2.000000e+00 : f32
        %broadcast_in_dim3A_135 = vector.broadcast %broadcast_in_dim3A_134 : f32 to vector<16xf32>
        %while3A = arith.constant 0 : i32
        %while3A_136 = arith.subi %select_n3A, %while3A : i32
        %while3A_137 = arith.addi %while3A, %while3A_136 : i32
        %while3A_138 = arith.constant 1 : i32
        %while3A_139 = arith.divsi %while3A_136, %while3A_138 : i32
        %while3A_140 = arith.muli %while3A_139, %while3A_138 : i32
        %while3A_141 = arith.addi %while3A, %while3A_140 : i32
        %while3A_142 = arith.constant 1 : i32
        %while3A_143:2 = scf.for %while3A_172 = %while3A to %while3A_141 step %while3A_142 iter_args(%while3A_173 = %broadcast_in_dim3A_135, %while3A_174 = %broadcast_in_dim3A_99) -> (vector<16xf32>, vector<16xi32>)  : i32 {
          %mul3A_175 = arith.constant 4 : i32
          %mul3A_176 = arith.muli %while3A_172, %mul3A_175 : i32
          %add3A_177 = arith.constant 0 : i32
          %add3A_178 = arith.addi %mul3A_176, %add3A_177 : i32
          %mul3A_179 = arith.constant 16 : i32
          %mul3A_180 = arith.muli %add3A_178, %mul3A_179 : i32
          %get3A_181 = arith.index_cast %mul3A_180 : i32 to index
          %get3A_182 = tpu.vector_load %arg6[%get3A_181] {strides = array<i32>} : memref<8256xf32, #tpu.memory_space<vmem>>, vector<16xf32>,
          %gt3A = arith.cmpf ogt, %get3A_182, %while3A_173 : vector<16xf32>
          %select_n3A_183 = arith.select %gt3A, %get3A_182, %while3A_173 : vector<16xi1>, vector<16xf32>
          %mul3A_184 = arith.constant 16 : i32
          %mul3A_185 = arith.muli %add3A_178, %mul3A_184 : i32
          %add3A_186 = vector.broadcast %mul3A_185 : i32 to vector<16xi32>
          %add3A_187 = arith.addi %add3A_186, %iota3A : vector<16xi32>
          %select_n3A_188 = arith.select %gt3A, %add3A_187, %while3A_174 : vector<16xi1>, vector<16xi32>
          %mul3A_189 = arith.constant 4 : i32
          %mul3A_190 = arith.muli %while3A_172, %mul3A_189 : i32
          %add3A_191 = arith.constant 1 : i32
          %add3A_192 = arith.addi %mul3A_190, %add3A_191 : i32
          %mul3A_193 = arith.constant 16 : i32
          %mul3A_194 = arith.muli %add3A_192, %mul3A_193 : i32
          %get3A_195 = arith.index_cast %mul3A_194 : i32 to index
          %get3A_196 = tpu.vector_load %arg6[%get3A_195] {strides = array<i32>} : memref<8256xf32, #tpu.memory_space<vmem>>, vector<16xf32>,
          %gt3A_197 = arith.cmpf ogt, %get3A_196, %select_n3A_183 : vector<16xf32>
          %select_n3A_198 = arith.select %gt3A_197, %get3A_196, %select_n3A_183 : vector<16xi1>, vector<16xf32>
          %mul3A_199 = arith.constant 16 : i32
          %mul3A_200 = arith.muli %add3A_192, %mul3A_199 : i32
          %add3A_201 = vector.broadcast %mul3A_200 : i32 to vector<16xi32>
          %add3A_202 = arith.addi %add3A_201, %iota3A : vector<16xi32>
          %select_n3A_203 = arith.select %gt3A_197, %add3A_202, %select_n3A_188 : vector<16xi1>, vector<16xi32>
          %mul3A_204 = arith.constant 4 : i32
          %mul3A_205 = arith.muli %while3A_172, %mul3A_204 : i32
          %add3A_206 = arith.constant 2 : i32
          %add3A_207 = arith.addi %mul3A_205, %add3A_206 : i32
          %mul3A_208 = arith.constant 16 : i32
          %mul3A_209 = arith.muli %add3A_207, %mul3A_208 : i32
          %get3A_210 = arith.index_cast %mul3A_209 : i32 to index
          %get3A_211 = tpu.vector_load %arg6[%get3A_210] {strides = array<i32>} : memref<8256xf32, #tpu.memory_space<vmem>>, vector<16xf32>,
          %gt3A_212 = arith.cmpf ogt, %get3A_211, %select_n3A_198 : vector<16xf32>
          %select_n3A_213 = arith.select %gt3A_212, %get3A_211, %select_n3A_198 : vector<16xi1>, vector<16xf32>
          %mul3A_214 = arith.constant 16 : i32
          %mul3A_215 = arith.muli %add3A_207, %mul3A_214 : i32
          %add3A_216 = vector.broadcast %mul3A_215 : i32 to vector<16xi32>
          %add3A_217 = arith.addi %add3A_216, %iota3A : vector<16xi32>
          %select_n3A_218 = arith.select %gt3A_212, %add3A_217, %select_n3A_203 : vector<16xi1>, vector<16xi32>
          %mul3A_219 = arith.constant 4 : i32
          %mul3A_220 = arith.muli %while3A_172, %mul3A_219 : i32
          %add3A_221 = arith.constant 3 : i32
          %add3A_222 = arith.addi %mul3A_220, %add3A_221 : i32
          %mul3A_223 = arith.constant 16 : i32
          %mul3A_224 = arith.muli %add3A_222, %mul3A_223 : i32
          %get3A_225 = arith.index_cast %mul3A_224 : i32 to index
          %get3A_226 = tpu.vector_load %arg6[%get3A_225] {strides = array<i32>} : memref<8256xf32, #tpu.memory_space<vmem>>, vector<16xf32>,
          %gt3A_227 = arith.cmpf ogt, %get3A_226, %select_n3A_213 : vector<16xf32>
          %select_n3A_228 = arith.select %gt3A_227, %get3A_226, %select_n3A_213 : vector<16xi1>, vector<16xf32>
          %mul3A_229 = arith.constant 16 : i32
          %mul3A_230 = arith.muli %add3A_222, %mul3A_229 : i32
          %add3A_231 = vector.broadcast %mul3A_230 : i32 to vector<16xi32>
          %add3A_232 = arith.addi %add3A_231, %iota3A : vector<16xi32>
          %select_n3A_233 = arith.select %gt3A_227, %add3A_232, %select_n3A_218 : vector<16xi1>, vector<16xi32>
          scf.yield %select_n3A_228, %select_n3A_233 : vector<16xf32>, vector<16xi32>
        }
        %while3A_144 = arith.constant 1 : i32
        %while3A_145:2 = scf.for %while3A_172 = %while3A_141 to %while3A_137 step %while3A_144 iter_args(%while3A_173 = %while3A_143#0, %while3A_174 = %while3A_143#1) -> (vector<16xf32>, vector<16xi32>)  : i32 {
          %mul3A_175 = arith.constant 4 : i32
          %mul3A_176 = arith.muli %while3A_172, %mul3A_175 : i32
          %add3A_177 = arith.constant 0 : i32
          %add3A_178 = arith.addi %mul3A_176, %add3A_177 : i32
          %mul3A_179 = arith.constant 16 : i32
          %mul3A_180 = arith.muli %add3A_178, %mul3A_179 : i32
          %get3A_181 = arith.index_cast %mul3A_180 : i32 to index
          %get3A_182 = tpu.vector_load %arg6[%get3A_181] {strides = array<i32>} : memref<8256xf32, #tpu.memory_space<vmem>>, vector<16xf32>,
          %gt3A = arith.cmpf ogt, %get3A_182, %while3A_173 : vector<16xf32>
          %select_n3A_183 = arith.select %gt3A, %get3A_182, %while3A_173 : vector<16xi1>, vector<16xf32>
          %mul3A_184 = arith.constant 16 : i32
          %mul3A_185 = arith.muli %add3A_178, %mul3A_184 : i32
          %add3A_186 = vector.broadcast %mul3A_185 : i32 to vector<16xi32>
          %add3A_187 = arith.addi %add3A_186, %iota3A : vector<16xi32>
          %select_n3A_188 = arith.select %gt3A, %add3A_187, %while3A_174 : vector<16xi1>, vector<16xi32>
          %mul3A_189 = arith.constant 4 : i32
          %mul3A_190 = arith.muli %while3A_172, %mul3A_189 : i32
          %add3A_191 = arith.constant 1 : i32
          %add3A_192 = arith.addi %mul3A_190, %add3A_191 : i32
          %mul3A_193 = arith.constant 16 : i32
          %mul3A_194 = arith.muli %add3A_192, %mul3A_193 : i32
          %get3A_195 = arith.index_cast %mul3A_194 : i32 to index
          %get3A_196 = tpu.vector_load %arg6[%get3A_195] {strides = array<i32>} : memref<8256xf32, #tpu.memory_space<vmem>>, vector<16xf32>,
          %gt3A_197 = arith.cmpf ogt, %get3A_196, %select_n3A_183 : vector<16xf32>
          %select_n3A_198 = arith.select %gt3A_197, %get3A_196, %select_n3A_183 : vector<16xi1>, vector<16xf32>
          %mul3A_199 = arith.constant 16 : i32
          %mul3A_200 = arith.muli %add3A_192, %mul3A_199 : i32
          %add3A_201 = vector.broadcast %mul3A_200 : i32 to vector<16xi32>
          %add3A_202 = arith.addi %add3A_201, %iota3A : vector<16xi32>
          %select_n3A_203 = arith.select %gt3A_197, %add3A_202, %select_n3A_188 : vector<16xi1>, vector<16xi32>
          %mul3A_204 = arith.constant 4 : i32
          %mul3A_205 = arith.muli %while3A_172, %mul3A_204 : i32
          %add3A_206 = arith.constant 2 : i32
          %add3A_207 = arith.addi %mul3A_205, %add3A_206 : i32
          %mul3A_208 = arith.constant 16 : i32
          %mul3A_209 = arith.muli %add3A_207, %mul3A_208 : i32
          %get3A_210 = arith.index_cast %mul3A_209 : i32 to index
          %get3A_211 = tpu.vector_load %arg6[%get3A_210] {strides = array<i32>} : memref<8256xf32, #tpu.memory_space<vmem>>, vector<16xf32>,
          %gt3A_212 = arith.cmpf ogt, %get3A_211, %select_n3A_198 : vector<16xf32>
          %select_n3A_213 = arith.select %gt3A_212, %get3A_211, %select_n3A_198 : vector<16xi1>, vector<16xf32>
          %mul3A_214 = arith.constant 16 : i32
          %mul3A_215 = arith.muli %add3A_207, %mul3A_214 : i32
          %add3A_216 = vector.broadcast %mul3A_215 : i32 to vector<16xi32>
          %add3A_217 = arith.addi %add3A_216, %iota3A : vector<16xi32>
          %select_n3A_218 = arith.select %gt3A_212, %add3A_217, %select_n3A_203 : vector<16xi1>, vector<16xi32>
          %mul3A_219 = arith.constant 4 : i32
          %mul3A_220 = arith.muli %while3A_172, %mul3A_219 : i32
          %add3A_221 = arith.constant 3 : i32
          %add3A_222 = arith.addi %mul3A_220, %add3A_221 : i32
          %mul3A_223 = arith.constant 16 : i32
          %mul3A_224 = arith.muli %add3A_222, %mul3A_223 : i32
          %get3A_225 = arith.index_cast %mul3A_224 : i32 to index
          %get3A_226 = tpu.vector_load %arg6[%get3A_225] {strides = array<i32>} : memref<8256xf32, #tpu.memory_space<vmem>>, vector<16xf32>,
          %gt3A_227 = arith.cmpf ogt, %get3A_226, %select_n3A_213 : vector<16xf32>
          %select_n3A_228 = arith.select %gt3A_227, %get3A_226, %select_n3A_213 : vector<16xi1>, vector<16xf32>
          %mul3A_229 = arith.constant 16 : i32
          %mul3A_230 = arith.muli %add3A_222, %mul3A_229 : i32
          %add3A_231 = vector.broadcast %mul3A_230 : i32 to vector<16xi32>
          %add3A_232 = arith.addi %add3A_231, %iota3A : vector<16xi32>
          %select_n3A_233 = arith.select %gt3A_227, %add3A_232, %select_n3A_218 : vector<16xi1>, vector<16xi32>
          scf.yield %select_n3A_228, %select_n3A_233 : vector<16xf32>, vector<16xi32>
        }
        %broadcast_in_dim3A_146 = arith.constant true
        %broadcast_in_dim3A_147 = vector.broadcast %broadcast_in_dim3A_146 : i1 to vector<16xi1>
        %masked_cummax3A_148 = tpu.scan <max>, %while3A_145#0 masked %broadcast_in_dim3A_147 : vector<16xf32>, vector<16xi1> -> vector<16xf32>
        %slice3A_149 = vector.extract_strided_slice %masked_cummax3A_148 {offsets = [15], sizes = [1], strides = [1]} : vector<16xf32> to vector<1xf32>
        %squeeze3A_150 = vector.extract %slice3A_149[0] : f32 from vector<1xf32>
        %eq3A_151 = vector.broadcast %squeeze3A_150 : f32 to vector<16xf32>
        %eq3A_152 = arith.cmpf oeq, %while3A_145#0, %eq3A_151 : vector<16xf32>
        %select_n3A_153 = arith.select %eq3A_152, %while3A_145#1, %broadcast_in_dim3A_99 : vector<16xi1>, vector<16xi32>
        %neg3A_154 = arith.constant 0 : i32
        %neg3A_155 = vector.broadcast %neg3A_154 : i32 to vector<16xi32>
        %neg3A_156 = arith.subi %neg3A_155, %select_n3A_153 : vector<16xi32>
        %broadcast_in_dim3A_157 = arith.constant true
        %broadcast_in_dim3A_158 = vector.broadcast %broadcast_in_dim3A_157 : i1 to vector<16xi1>
        %masked_cummax3A_159 = arith.constant -2147483648 : i32
        %masked_cummax3A_160 = vector.broadcast %masked_cummax3A_159 : i32 to vector<16xi32>
        %masked_cummax3A_161 = arith.xori %neg3A_156, %masked_cummax3A_160 : vector<16xi32>
        %masked_cummax3A_162 = tpu.scan <max>, %masked_cummax3A_161 masked %broadcast_in_dim3A_158 : vector<16xi32>, vector<16xi1> -> vector<16xi32>
        %masked_cummax3A_163 = arith.xori %masked_cummax3A_162, %masked_cummax3A_160 : vector<16xi32>
        %slice3A_164 = vector.extract_strided_slice %masked_cummax3A_163 {offsets = [15], sizes = [1], strides = [1]} : vector<16xi32> to vector<1xi32>
        %squeeze3A_165 = vector.extract %slice3A_164[0] : i32 from vector<1xi32>
        %neg3A_166 = arith.constant 0 : i32
        %neg3A_167 = arith.subi %neg3A_166, %squeeze3A_165 : i32
        %broadcast_in_dim3A_168 = vector.broadcast %neg3A_167 : i32 to vector<16xi32>
        %gather3A = tpu.vector_load_idx %arg7[%broadcast_in_dim3A_168] : memref<8192xi32, #tpu.memory_space<vmem>>[vector<16xi32>], vector<16xi32>,
        %broadcast_in_dim3A_169 = vector.broadcast %scan3A_132 : i32 to vector<16xi32>
        %broadcast_in_dim3A_170 = vector.broadcast %squeeze3A_150 : f32 to vector<16xf32>
        tpu.vector_store_idx %arg8[%broadcast_in_dim3A_169], %broadcast_in_dim3A_170 masked %eq3A_4 : memref<64xf32, #tpu.memory_space<vmem>>[vector<16xi32>], vector<16xf32>, vector<16xi1>
        tpu.vector_store_idx %arg9[%broadcast_in_dim3A_169], %gather3A masked %eq3A_4 : memref<64xi32, #tpu.memory_space<vmem>>[vector<16xi32>], vector<16xi32>, vector<16xi1>
        tpu.vector_store_idx %arg6[%broadcast_in_dim3A_168], %broadcast_in_dim3A_5 masked %eq3A_4 : memref<8256xf32, #tpu.memory_space<vmem>>[vector<16xi32>], vector<16xf32>, vector<16xi1>
        %add3A_171 = arith.addf %scan3A_133, %squeeze3A_150 : f32
        scf.yield %add3A_171 : f32
      }
      %scan3A_106 = arith.constant 64 : i32
      %add3A_107 = arith.constant 9.99999993E-9 : f32
      %add3A_108 = arith.addf %scan3A_105, %add3A_107 : f32
      %get3A = arith.constant 0 : index
      %get3A_109 = tpu.vector_load %arg8[%get3A] {strides = array<i32>} : memref<64xf32, #tpu.memory_space<vmem>>, vector<16xf32>,
      %div3A_110 = vector.broadcast %add3A_108 : f32 to vector<16xf32>
      %div3A_111 = arith.divf %get3A_109, %div3A_110 : vector<16xf32>
      %swap3A = arith.constant 0 : index
      %swap3A_112 = tpu.vector_load %arg8[%swap3A] {strides = array<i32>} : memref<64xf32, #tpu.memory_space<vmem>>, vector<16xf32>,
      tpu.vector_store %arg8[%swap3A], %div3A_111 {strides = array<i32>} : memref<64xf32, #tpu.memory_space<vmem>>, vector<16xf32>,
      %get3A_113 = arith.constant 16 : index
      %get3A_114 = tpu.vector_load %arg8[%get3A_113] {strides = array<i32>} : memref<64xf32, #tpu.memory_space<vmem>>, vector<16xf32>,
      %div3A_115 = vector.broadcast %add3A_108 : f32 to vector<16xf32>
      %div3A_116 = arith.divf %get3A_114, %div3A_115 : vector<16xf32>
      %swap3A_117 = arith.constant 16 : index
      %swap3A_118 = tpu.vector_load %arg8[%swap3A_117] {strides = array<i32>} : memref<64xf32, #tpu.memory_space<vmem>>, vector<16xf32>,
      tpu.vector_store %arg8[%swap3A_117], %div3A_116 {strides = array<i32>} : memref<64xf32, #tpu.memory_space<vmem>>, vector<16xf32>,
      %get3A_119 = arith.constant 32 : index
      %get3A_120 = tpu.vector_load %arg8[%get3A_119] {strides = array<i32>} : memref<64xf32, #tpu.memory_space<vmem>>, vector<16xf32>,
      %div3A_121 = vector.broadcast %add3A_108 : f32 to vector<16xf32>
      %div3A_122 = arith.divf %get3A_120, %div3A_121 : vector<16xf32>
      %swap3A_123 = arith.constant 32 : index
      %swap3A_124 = tpu.vector_load %arg8[%swap3A_123] {strides = array<i32>} : memref<64xf32, #tpu.memory_space<vmem>>, vector<16xf32>,
      tpu.vector_store %arg8[%swap3A_123], %div3A_122 {strides = array<i32>} : memref<64xf32, #tpu.memory_space<vmem>>, vector<16xf32>,
      %get3A_125 = arith.constant 48 : index
      %get3A_126 = tpu.vector_load %arg8[%get3A_125] {strides = array<i32>} : memref<64xf32, #tpu.memory_space<vmem>>, vector<16xf32>,
      %div3A_127 = vector.broadcast %add3A_108 : f32 to vector<16xf32>
      %div3A_128 = arith.divf %get3A_126, %div3A_127 : vector<16xf32>
      %swap3A_129 = arith.constant 48 : index
      %swap3A_130 = tpu.vector_load %arg8[%swap3A_129] {strides = array<i32>} : memref<64xf32, #tpu.memory_space<vmem>>, vector<16xf32>,
      tpu.vector_store %arg8[%swap3A_129], %div3A_128 {strides = array<i32>} : memref<64xf32, #tpu.memory_space<vmem>>, vector<16xf32>,
      "tpu.region"() ({
        %run_scoped3A = tpu.sem_alloc : memref<!tpu.dma_semaphore, #tpu.memory_space<semaphore_mem>>
        %dma_start3A = arith.constant 0 : i32
        %dma_start3A_132 = tpu.memref_slice %arg3[%add3A_14, %dma_start3A] : memref<1024x64xf32, #tpu.memory_space<hbm>> -> memref<1x64xf32, #tpu.memory_space<hbm>>
        %dma_start3A_133 = tpu.memref_squeeze %dma_start3A_132 : memref<1x64xf32, #tpu.memory_space<hbm>> -> memref<64xf32, #tpu.memory_space<hbm>>
        %dma_start3A_134 = arith.constant 0 : i32
        %dma_start3A_135 = tpu.memref_slice %arg3[%add3A_14, %dma_start3A_134] : memref<1024x64xf32, #tpu.memory_space<hbm>> -> memref<1x64xf32, #tpu.memory_space<hbm>>
        %dma_start3A_136 = tpu.memref_squeeze %dma_start3A_135 : memref<1x64xf32, #tpu.memory_space<hbm>> -> memref<64xf32, #tpu.memory_space<hbm>>
        tpu.enqueue_dma source(%arg8 : memref<64xf32, #tpu.memory_space<vmem>>) target(%dma_start3A_136 : memref<64xf32, #tpu.memory_space<hbm>>) target_semaphore(%run_scoped3A : memref<!tpu.dma_semaphore, #tpu.memory_space<semaphore_mem>>)
        %dma_wait3A = arith.constant 0 : i32
        %dma_wait3A_137 = tpu.memref_slice %arg3[%add3A_14, %dma_wait3A] : memref<1024x64xf32, #tpu.memory_space<hbm>> -> memref<1x64xf32, #tpu.memory_space<hbm>>
        %dma_wait3A_138 = tpu.memref_squeeze %dma_wait3A_137 : memref<1x64xf32, #tpu.memory_space<hbm>> -> memref<64xf32, #tpu.memory_space<hbm>>
        %dma_wait3A_139 = arith.constant 0 : i32
        %dma_wait3A_140 = tpu.memref_slice %arg3[%add3A_14, %dma_wait3A_139] : memref<1024x64xf32, #tpu.memory_space<hbm>> -> memref<1x64xf32, #tpu.memory_space<hbm>>
        %dma_wait3A_141 = tpu.memref_squeeze %dma_wait3A_140 : memref<1x64xf32, #tpu.memory_space<hbm>> -> memref<64xf32, #tpu.memory_space<hbm>>
        tpu.wait_dma2 semaphore(%run_scoped3A : memref<!tpu.dma_semaphore, #tpu.memory_space<semaphore_mem>>) src(%arg8 : memref<64xf32, #tpu.memory_space<vmem>>) dst(%dma_wait3A_141 : memref<64xf32, #tpu.memory_space<hbm>>)
        tpu.yield
      }) : () -> ()
      "tpu.region"() ({
        %run_scoped3A = tpu.sem_alloc : memref<!tpu.dma_semaphore, #tpu.memory_space<semaphore_mem>>
        %dma_start3A = arith.constant 0 : i32
        %dma_start3A_132 = tpu.memref_slice %arg4[%add3A_14, %dma_start3A] : memref<1024x64xi32, #tpu.memory_space<hbm>> -> memref<1x64xi32, #tpu.memory_space<hbm>>
        %dma_start3A_133 = tpu.memref_squeeze %dma_start3A_132 : memref<1x64xi32, #tpu.memory_space<hbm>> -> memref<64xi32, #tpu.memory_space<hbm>>
        %dma_start3A_134 = arith.constant 0 : i32
        %dma_start3A_135 = tpu.memref_slice %arg4[%add3A_14, %dma_start3A_134] : memref<1024x64xi32, #tpu.memory_space<hbm>> -> memref<1x64xi32, #tpu.memory_space<hbm>>
        %dma_start3A_136 = tpu.memref_squeeze %dma_start3A_135 : memref<1x64xi32, #tpu.memory_space<hbm>> -> memref<64xi32, #tpu.memory_space<hbm>>
        tpu.enqueue_dma source(%arg9 : memref<64xi32, #tpu.memory_space<vmem>>) target(%dma_start3A_136 : memref<64xi32, #tpu.memory_space<hbm>>) target_semaphore(%run_scoped3A : memref<!tpu.dma_semaphore, #tpu.memory_space<semaphore_mem>>)
        %dma_wait3A = arith.constant 0 : i32
        %dma_wait3A_137 = tpu.memref_slice %arg4[%add3A_14, %dma_wait3A] : memref<1024x64xi32, #tpu.memory_space<hbm>> -> memref<1x64xi32, #tpu.memory_space<hbm>>
        %dma_wait3A_138 = tpu.memref_squeeze %dma_wait3A_137 : memref<1x64xi32, #tpu.memory_space<hbm>> -> memref<64xi32, #tpu.memory_space<hbm>>
        %dma_wait3A_139 = arith.constant 0 : i32
        %dma_wait3A_140 = tpu.memref_slice %arg4[%add3A_14, %dma_wait3A_139] : memref<1024x64xi32, #tpu.memory_space<hbm>> -> memref<1x64xi32, #tpu.memory_space<hbm>>
        %dma_wait3A_141 = tpu.memref_squeeze %dma_wait3A_140 : memref<1x64xi32, #tpu.memory_space<hbm>> -> memref<64xi32, #tpu.memory_space<hbm>>
        tpu.wait_dma2 semaphore(%run_scoped3A : memref<!tpu.dma_semaphore, #tpu.memory_space<semaphore_mem>>) src(%arg9 : memref<64xi32, #tpu.memory_space<vmem>>) dst(%dma_wait3A_141 : memref<64xi32, #tpu.memory_space<hbm>>)
        tpu.yield
      }) : () -> ()
      %scan3A_131 = arith.constant 0 : i32
      scf.yield %scan3A_131 : i32
    }
    %scan3A_11 = arith.constant 32 : i32
    return
  }
}

</mosaic_0001>

<sc_bundles>
// kernel: branch_0_fun.3.cloned.1.call-start
scs
__scs_entry_jumppad:
0x0: {  	(pc) =	sbr.rel $0x88, $3  }
0x1: {  	(tag) =	ssettag $0x0;
	lr =	simm.s32 $0x1  }
0x2: {  	[smem:$0x3F9A] =	sst lr;
	_ =	strace $0xD0000000  }
0x3: {  	_ = 	snop  }
0x4: {  	_ = 	snop  }
0x5: {  	_ = 	snop  }
0x6: {  	_ = 	snop  }
0x7: {  	_ = 	snop  }
__scs_overlays_trampoline_lowered:
0x8: {  	[smem:$0x3FA9] =	sst s0  }
0x9: {  	[smem:$0x3FAA] =	sst s1  }
0xa: {  	[smem:$0x3FAB] =	sst s2  }
0xb: {  	[smem:$0x3FAC] =	sst s3  }
0xc: {  	[smem:$0x3FAD] =	sst s4  }
0xd: {  	[smem:$0x3FAE] =	sst s5  }
0xe: {  	[smem:$0x3FAF] =	sst s6  }
0xf: {  	[smem:$0x3FB0] =	sst s7  }
0x10: {  	[smem:$0x3FB1] =	sst s8  }
0x11: {  	[smem:$0x3FB2] =	sst s9;
	s0 =	simm.s32 @!p0 $0x0  }
0x12: {  	s1 =	sld [smem:$0x3F98];
	s0 =	simm.s32 @p0 $0x1  }
0x13: {  	[smem:$0x3FB3] =	sst s0;
	s0 =	simm.s32 @!p1 $0x0  }
0x14: {  	s2 =	sld [smem:$0x3F97];
	s0 =	simm.s32 @p1 $0x1  }
0x15: {  	[smem:$0x3FB4] =	sst s0;
	s0 =	simm.s32 @!p2 $0x0  }
0x16: {  	s3 =	sld [smem:$0x3FDB];
	s0 =	simm.s32 @p2 $0x1  }
0x17: {  	s4 =	simm.s32 $0x1BF5;
	[smem:$0x3FB6] =	sst s0  }
0x18: {  	s0 =	sld [smem:$0x3F99];
	_ =	swait.ge [sflag:s4], $0x0  }
0x19: {  	s7 =	sld [smem:$0x3F9A]  }
0x1a: {  	s8 =	sadd.s32 $0xFFFFE003, lr  }
0x1b: {  	s9 =	sadd.s32 $0xFFFFFEF7, lr;
	s5 =	simm.s32 $0xFFFFFFFF;
	p2 =	slt.u32 s8, $0xFFFFF086  }
0x1c: {  	p1 =	slt.u32 s9, $0xF7A;
	s5 =	simm.s32 @!p2 $0x0  }
0x1d: {  	s5 =	simm.s32 @p1 $0x1;
	p0 =	seq.s32 s7, s2  }
0x1e: {  	s7 =	smul.u32 @!p0 $0xF7A, s2;
	p2 =	seq.s32 @!p0 s5, $0x0  }
0x1f: {  	s9 =	smul.u32 $0xF7A, s1;
	s8 =	simm.s32 @!p0 $0x1BF5;
	p2 =	por !p2, p0  }
0x20: {  	[sflag:s8] =	ssyncset.s32 @!p0 $0xFFFFF086;
	s6 =	sadd.s32 @!p0 s3, s7;
	s7 =	simm.s32 @!p0 $0x108  }
0x21: {  	s3 =	sadd.s32 s3, s9;
	s6 =	sadd.s32 @!p0 $0x88, s6;
	s7 =	simm.s32 @p2 $0x1082  }
0x22: {  	[simem:s7], [sflag:s8] =	dma.local @!p0 [hbm:s6], $0xF7A  }
0x23: {  	s9 =	sor.u32 $0xD0000000, s2;
	s6 =	simm.s32 $0x108;
	_ =	swait.ge @!p0 [sflag:s8], $0x0  }
0x24: {  	s3 =	sadd.s32 $0x88, s3;
	s6 =	simm.s32 @!p1 $0x1082;
	[sflag:s4] =	ssyncset.s32 $0xFFFFF086  }
0x25: {  	[simem:s6], [sflag:s4] =	dma.local [hbm:s3], $0xF7A  }
0x26: {  	[smem:$0x3F9A] =	sst s1;
	(tag) =	ssettag s2;
	_ =	strace s9  }
0x27: {  	s1 =	sld [smem:$0x3FAA]  }
0x28: {  	s2 =	sld [smem:$0x3FAB]  }
0x29: {  	s4 =	sld [smem:$0x3FAD]  }
0x2a: {  	p0 =	seq.s32 s5, $0x0;
	s5 =	sld [smem:$0x3FAE]  }
0x2b: {  	s6 =	sld [smem:$0x3FAF]  }
0x2c: {  	s7 =	sld [smem:$0x3FB0]  }
0x2d: {  	s3 =	simm.s32 $0x108;
	s8 =	sld [smem:$0x3FB1]  }
0x2e: {  	s3 =	simm.s32 @!p0 $0x1082;
	s9 =	sld [smem:$0x3FB2]  }
0x2f: {  	lr =	sadd.s32 s0, s3;
	s0 =	sld [smem:$0x3FA9]  }
0x30: {  	s3 =	sld [smem:$0x3FAC]  }
0x31: {  	[smem:$0x3FB5] =	sst s10  }
0x32: {  	s10 =	sld [smem:$0x3FB3];
	_ =	sdelay $0x3  }
0x33: {  	p0 =	seq.s32 s10, $0x1;
	s10 =	sld [smem:$0x3FB5];
	_ =	sdelay $0x3  }
0x34: {  	[smem:$0x3FB5] =	sst s10  }
0x35: {  	s10 =	sld [smem:$0x3FB4];
	_ =	sdelay $0x3  }
0x36: {  	p1 =	seq.s32 s10, $0x1;
	s10 =	sld [smem:$0x3FB5];
	_ =	sdelay $0x3  }
0x37: {  	[smem:$0x3FB5] =	sst s10  }
0x38: {  	s10 =	sld [smem:$0x3FB6]  }
0x39: {  	_ = 	snop;
	(pc) =	sbr.ind lr, $3  }
0x3a: {  	_ = 	snop  }
0x3b: {  	_ = 	snop  }
0x3c: {  	p2 =	seq.s32 s10, $0x1;
	s10 =	sld [smem:$0x3FB5]  }
0x3d: {  	_ =	shalt  }
0x3e: {  	_ =	shalt  }
0x3f: {  	_ =	shalt  }
0x40: {  	_ =	shalt  }
0x41: {  	_ =	shalt  }
0x42: {  	_ =	shalt  }
0x43: {  	_ =	shalt  }
0x44: {  	_ =	shalt  }
0x45: {  	_ =	shalt  }
0x46: {  	_ =	shalt  }
0x47: {  	_ =	shalt  }
0x48: {  	_ =	shalt  }
0x49: {  	_ =	shalt  }
0x4a: {  	_ =	shalt  }
0x4b: {  	_ =	shalt  }
0x4c: {  	_ =	shalt  }
0x4d: {  	_ =	shalt  }
0x4e: {  	_ =	shalt  }
0x4f: {  	_ =	shalt  }
0x50: {  	_ =	shalt  }
0x51: {  	_ =	shalt  }
0x52: {  	_ =	shalt  }
0x53: {  	_ =	shalt  }
0x54: {  	_ =	shalt  }
0x55: {  	_ =	shalt  }
0x56: {  	_ =	shalt  }
0x57: {  	_ =	shalt  }
0x58: {  	_ =	shalt  }
0x59: {  	_ =	shalt  }
0x5a: {  	_ =	shalt  }
0x5b: {  	_ =	shalt  }
0x5c: {  	_ =	shalt  }
0x5d: {  	_ =	shalt  }
0x5e: {  	_ =	shalt  }
0x5f: {  	_ =	shalt  }
0x60: {  	_ =	shalt  }
0x61: {  	_ =	shalt  }
0x62: {  	_ =	shalt  }
0x63: {  	_ =	shalt  }
0x64: {  	_ =	shalt  }
0x65: {  	_ =	shalt  }
0x66: {  	_ =	shalt  }
0x67: {  	_ =	shalt  }
0x68: {  	_ =	shalt  }
0x69: {  	_ =	shalt  }
0x6a: {  	_ =	shalt  }
0x6b: {  	_ =	shalt  }
0x6c: {  	_ =	shalt  }
0x6d: {  	_ =	shalt  }
0x6e: {  	_ =	shalt  }
0x6f: {  	_ =	shalt  }
0x70: {  	_ =	shalt  }
0x71: {  	_ =	shalt  }
0x72: {  	_ =	shalt  }
0x73: {  	_ =	shalt  }
0x74: {  	_ =	shalt  }
0x75: {  	_ =	shalt  }
0x76: {  	_ =	shalt  }
0x77: {  	_ =	shalt  }
0x78: {  	_ =	shalt  }
0x79: {  	_ =	shalt  }
0x7a: {  	_ =	shalt  }
0x7b: {  	_ =	shalt  }
0x7c: {  	_ =	shalt  }
0x7d: {  	_ =	shalt  }
0x7e: {  	_ =	shalt  }
0x7f: {  	_ =	shalt  }
0x80: {  	_ =	shalt  }
0x81: {  	_ =	shalt  }
0x82: {  	_ =	shalt  }
0x83: {  	_ =	shalt  }
0x84: {  	_ =	shalt  }
0x85: {  	_ =	shalt  }
0x86: {  	_ =	shalt  }
0x87: {  	_ =	shalt  }
.Lfunc_end0:
.L_simem_size_0:
called_computation.2_lowered:
.L_overlay_start_0:
0x88: {  	s2 =	sld [smem:$0x3FD9]  }
0x89: {  	s3 =	sld [smem:$0x3FFE];
	_ =	sdelay $0x1  }
0x8a: {  	s1 =	srdreg.scid  }
0x8b: {  	s0 =	sand.u32 $0x1, s1  }
0x8c: {  	s16 =	sshll.u32 s0, $0xA;
	s2 =	sadd.s32 s3, s2  }
0x8d: {  	s2 =	sadd.s32 s2, s16  }
0x8e: {  	[smem:$0x3FC1] =	sst s2  }
0x8f: {  	_ = 	snop  }
0x90: {  	(tm) =	ssettm $0x1  }
0x91: {  	s17 =	sld [smem:$0x3FFB];
	_ =	sdelay $0x3  }
0x92: {  	_ =	strace s17  }
0x93: {  	s2 =	sld [smem:$0x3FFC];
	_ =	sdelay $0x3  }
0x94: {  	_ =	strace s2  }
0x95: {  	s2 =	sld [smem:$0x3FFD];
	_ =	sdelay $0x3  }
0x96: {  	_ =	strace s2  }
0x97: {  	_ =	strace $0x8FFFFFFF  }
0x98: {  	s18 =	sld [smem:$0x3FDB];
	_ =	sdelay $0x1  }
0x99: {  	s19 =	simm.s32 $_scs_section_size  }
0x9a: {  	s4 =	simm.s32 $_size__tile_overlayer_lowered;
	s5 =	simm.s32 $_tile_overlayer_lowered  }
0x9b: {  	s22 =	simm.s32 $0x1BFF;
	s21 =	sshll.u32 s5, $0x1;
	s2 =	sadd.s32 s19, s18  }
0x9c: {  	s6 =	simm.s32 $0x0;
	s20 =	sshll.u32 s4, $0x1;
	s4 =	sadd.s32 s21, s2  }
0x9d: {  	[timem:s6], [sflag:s22] =	dma.local [hbm:s4], s20  }
0x9e: {  	_ =	swait.ge [sflag:s22], s20  }
0x9f: {  	s3 =	ssub.s32 $0x0, s20;
	[sflag:s22] =	ssyncset.done $0x0  }
0xa0: {  	[sflag:s22] =	ssyncadd.s32 s3;
	_ =	sdelay $0x1  }
0xa1: {  	s23 =	simm.s32 $0x1B8B  }
0xa2: {  	_ =	swait.ge [sflag:s23], $0x1  }
0xa3: {  	[sflag:s23] =	ssyncset.done $0x0  }
0xa4: {  	s25 =	simm.s32 $0x1B8E;
	s24 =	sld [smem:$0x3FFE];
	[sflag:s23] =	ssyncadd.s32 $0xFFFFFFFF  }
0xa5: {  	s26 =	simm.s32 $execute0_lowered;
	[smem:$0x3FD2] =	sst s25  }
0xa6: {  	s4 =	sshll.u32 s26, $0x1;
	_ =	strace $0x80000046;
	[dreg:$0x1] =	wrdreg $0xFFFFFFFF  }
0xa7: {  	s28 =	simm.s32 $_size_execute0_lowered;
	s2 =	sadd.s32 s2, s4;
	[dreg:$0x0] =	wrdreg $0x0  }
0xa8: {  	s4 =	sshll.u32 s28, $0x1;
	[dreg:$0x2] =	wrdreg s2  }
0xa9: {  	[dreg:$0x3] =	wrdreg s4  }
0xaa: {  	[dreg:$0x4] =	wrdreg $0xC0  }
0xab: {  	_ =	task [dreg:s6], $0x5FFFF  }
0xac: {  	[dreg:$0x1] =	wrdreg $0xFFFFFFFF  }
0xad: {  	[dreg:$0x0] =	wrdreg $0x60  }
0xae: {  	[dreg:$0x2] =	wrdreg s24  }
0xaf: {  	[dreg:$0x3] =	wrdreg $0x9  }
0xb0: {  	_ =	task.clear_ibuf [dreg:s6], $0x4FFFF;
	_ =	strace $0x90000046  }
0xb1: {  	s29 =	simm.s32 $0x9;
	_ =	strace $0x80000048  }
0xb2: {  	_ =	swait.ge [sflag:s29], $0x1  }
0xb3: {  	[sflag:s29] =	ssyncadd.s32 $0xFFFFFFFF  }
0xb4: {  	_ =	strace $0x90000048  }
0xb5: {  	_ =	sfence  }
0xb6: {  	s30 =	sld [smem:$0x0];
	_ =	sdelay $0x2  }
0xb7: {  	s31 =	sshll.u32 s1, $0xD;
	s1 =	sshrl.u32 s1, $0x2  }
0xb8: {  	s3 =	sand.u32 $0x4000, s31;
	s1 =	sadd.s32 s1, s30  }
0xb9: {  	s0 =	sor.u32 s3, s0;
	s1 =	sshll.u32 s1, $0x11  }
0xba: {  	s0 =	sor.u32 s1, s0  }
0xbb: {  	s0 =	sadd.s32 $0x8F2B, s0  }
0xbc: {  	[sflag:s0] =	ssyncadd.remote.s32 $0x1  }
0xbd: {  	_ =	sfence.sel $0xFFFF  }
0xbe: {  	[dreg:$0x0] =	wrdreg $0xFFFFFFFF;
	(pc) =	sbr.abs _section_cstart, $3  }
0xbf: {  	[dreg:$0x1] =	wrdreg $0xFFFFFFFF  }
0xc0: {  	_ =	task.clear_ibuf [dreg:s6], $0x2FFFF;
	_ =	strace $0x9FFFFFFF  }
0xc1: {  	(tm) =	ssettm $0x7FFFFFFF  }
tec
execute0_lowered:
.L_overlay_start_1:
0x0: {  	(tag) =	ssettag $0x1  }
0x1: {  	s1 =	rddreg [dreg:$0x0]  }
0x2: {  	s0 =	rddreg [dreg:$0x1]  }
0x3: {  	s2 =	simm.s32 $0x0;
	s3 =	srdreg.scid;
	s10 =	simm.s32 $0x1  }
0x4: {  	s11 =	simm.s32 $0x2000;
	s12 =	simm.s32 $0x4080;
	s13 =	simm.s32 $0x6080  }
0x5: {  	s14 =	simm.s32 $0x6100;
	s15 =	simm.s32 $0x0;
	[smem:$0x7FF] =	sst s2  }
.Ltmp0:
0x6: {  	s5 =	sand.u32 $0x1, s3;
	s4 =	sadd.s32 $0x200200, s1;
	(pc) =	sbr.rel .LBB2_1-.Ltmp0, $4  }
0x7: {  	s3 =	stileid.u32;
	_ =	strace $0x80000047;
	s6 =	ssub.s32 $0x2, s5  }
0x8: {  	s8 =	sshll.u32 s3, $0x6;
	s9 =	sshll.u32 s5, $0x5;
	s7 =	sshrl.u32 s6, $0x1  }
0x9: {  	s5 =	sadd.s32 $0x204200, s1;
	s7 =	ssub.s32 s6, s7;
	s6 =	sor.u32 s9, s8  }
0xa: {  	v0 =	vimm.s32 $0x0;
	v1 =	vlaneseq.u32;
	v2 =	vimm.f32 $-1.000000000e+00;
	s8 =	simm.s32 $0x80;
	s9 =	simm.s32 $0x400;
	s7 =	smax.u32 s7, $0x1  }
.LBB2_22:
0xb: {  	s15 =	sadd.s32 $0x1, s15  }
0xc: {  	p0 =	sne.s32 s15, s7  }
.Ltmp1:
0xd: {  	_ = 	snop;
	(pc) =	sbr.rel @!p0 .LBB2_23-.Ltmp1, $1  }
0xe: {  	_ =	sdelay $0x3  }
.LBB2_1:
.Ltmp2:
0xf: {  	(pc) =	sbr.rel .LBB2_2-.Ltmp2, $2  }
0x10: {  	_ =	sdelay $0x2  }
0x11: {  	s16 =	simm.s32 $0x0  }
.LBB2_21:
0x12: {  	s19 =	sadd.f32 $9.999999930e-09, s21;
	_ =	sdelay $0x1  }
0x13: {  	v3 =	vmov s19  }
0x14: {  	(erf) = vrcp.f32 v3;
	_ =	sdelay $0x4  }
0x15: {  	v3 =	vld [tilespmem:$0x6080]  }
0x16: {  	v4 =	vld [tilespmem:$0x6090]  }
0x17: {  	v6 =	vld [tilespmem:$0x60B0]  }
0x18: {  	v5 =	vld [tilespmem:$0x60A0]  }
0x19: {  	v7 =	vpop (erf)  }
0x1a: {  	v3 =	vmul.f32 v3, v7  }
0x1b: {  	v4 =	vmul.f32 v4, v7  }
0x1c: {  	s18 =	sshll.u32 s18, $0xA;
	v63 =	vmul.f32 v6, v7;
	[tilespmem:$0x6080] =	vst v3  }
0x1d: {  	s17 =	sor.u32 s17, s18;
	v3 =	vmul.f32 v5, v7;
	[tilespmem:$0x6090] =	vst v4  }
0x1e: {  	s17 =	sshrl.u32 s17, $0x3;
	[tilespmem:$0x60B0] =	vst v63  }
0x1f: {  	s31 =	sadd.s32 s4, s17;
	[tilespmem:$0x60A0] =	vst v3  }
0x20: {  	[hbm4b:s31+s2] =	stream.linear.scatter [tilespmem:s13], [sflag:$0x1], $0x80, $0x38;
	[tilespmem:$0x6180] =	vst v63  }
0x21: {  	s16 =	sadd.s32 $0x1, s16;
	_ =	swait.ge [sflag:s10], $0x80  }
0x22: {  	p0 =	sne.s32 s16, $0x20;
	[sflag:s10] =	ssyncset.done $0x0  }
.Ltmp3:
0x23: {  	s17 =	sadd.s32 s5, s17;
	[sflag:s10] =	ssyncadd.s32 $0xFFFFFF80;
	(pc) =	sbr.rel @!p0 .LBB2_22-.Ltmp3, $4  }
0x24: {  	[hbm4b:s17+s2] =	stream.linear.scatter [tilespmem:s14], [sflag:$0x1], $0x80, $0x38;
	[tilespmem:$0x6180] =	vst v63  }
0x25: {  	_ =	swait.ge [sflag:s10], $0x80  }
0x26: {  	[sflag:s10] =	ssyncset.done $0x0  }
0x27: {  	[sflag:s10] =	ssyncadd.s32 $0xFFFFFF80  }
.LBB2_2:
0x28: {  	s17 =	sadd.s32 s6, s16  }
0x29: {  	s31 =	sshll.u32 s16, $0x7;
	s18 =	sshrl.u32 s17, $0x3  }
0x2a: {  	s17 =	sand.u32 $0x380, s31;
	s19 =	sshll.u32 s18, $0x10  }
0x2b: {  	s19 =	sor.u32 s17, s19  }
0x2c: {  	s19 =	sshrl.u32 s19, $0x3  }
0x2d: {  	s20 =	simm.s32 $0x0;
	s19 =	sadd.s32 s1, s19  }
0x2e: {  	[tilespmem:s20], [sflag:$0x1] =	stream.strided.gather [hbm4b:s19+s8], $0x2000, s9, s8, $0x38;
	[tilespmem:$0x6180] =	vst v63  }
0x2f: {  	_ =	swait.ge [sflag:s10], $0x2000  }
0x30: {  	[sflag:s10] =	ssyncset.done $0x0  }
0x31: {  	s19 =	simm.s32 $0x0;
	[sflag:s10] =	ssyncadd.s32 $0xFFFFE000  }
0x32: {  	v6 =	vld [tilespmem:s19+$0x0]  }
0x33: {  	v7 =	vld [tilespmem:s19+$0x10]  }
0x34: {  	v8 =	vld [tilespmem:s19+$0x20]  }
0x35: {  	v4 =	vld [tilespmem:s19+$0x30]  }
0x36: {  	v3 =	vimm.f32 $-2.000000000e+00;
	v5 =	vld [tilespmem:s19+$0x40]  }
0x37: {  	v9 =	vmax.f32 v3, v6;
	v6 =	vld [tilespmem:s19+$0x50]  }
0x38: {  	v9 =	vmax.f32 v9, v7;
	v7 =	vld [tilespmem:s19+$0x60]  }
0x39: {  	s21 =	simm.s32 $0x400;
	s20 =	simm.s32 $0x80;
	v9 =	vmax.f32 v9, v8;
	v8 =	vld [tilespmem:s19+$0x70]  }
.LBB2_3:
0x3a: {  	p0 =	sne.s32 s21, $0x1E00;
	v10 =	vld [tilespmem:s20+$0x0];
	v4 =	vmax.f32 v9, v4  }
0x3b: {  	v9 =	vld [tilespmem:s20+$0x10];
	v4 =	vmax.f32 v4, v5  }
0x3c: {  	v11 =	vld [tilespmem:s20+$0x20];
	v5 =	vmax.f32 v4, v6  }
.Ltmp4:
0x3d: {  	v4 =	vld [tilespmem:s20+$0x30];
	v6 =	vmax.f32 v5, v7;
	(pc) =	sbr.rel @p0 .LBB2_3-.Ltmp4, $4  }
0x3e: {  	v5 =	vld [tilespmem:s20+$0x40];
	v6 =	vmax.f32 v6, v8  }
0x3f: {  	v7 =	vmax.f32 v6, v10;
	v6 =	vld [tilespmem:s20+$0x50]  }
0x40: {  	v8 =	vmax.f32 v7, v9;
	v7 =	vld [tilespmem:s20+$0x60]  }
0x41: {  	v9 =	vmax.f32 v8, v11;
	v8 =	vld [tilespmem:s20+$0x70];
	s20 =	sshra.s32 s21, $0x2;
	s21 =	sadd.s32 $0x200, s21  }
0x42: {  	v10 =	vld [tilespmem:s20+$0x0]  }
0x43: {  	v11 =	vld [tilespmem:s20+$0x10]  }
0x44: {  	v12 =	vld [tilespmem:s20+$0x20]  }
0x45: {  	v4 =	vmax.f32 v9, v4;
	v9 =	vld [tilespmem:s20+$0x30]  }
0x46: {  	v63 =	vld [tilespmem:s19+$0x820];
	v4 =	vmax.f32 v4, v5  }
0x47: {  	v5 =	vld [tilespmem:s20+$0x40];
	v4 =	vmax.f32 v4, v6  }
0x48: {  	v6 =	vld [tilespmem:s20+$0x50];
	v4 =	vmax.f32 v4, v7  }
0x49: {  	v7 =	vld [tilespmem:s20+$0x60];
	v4 =	vmax.f32 v4, v8  }
0x4a: {  	v4 =	vmax.f32 v4, v10;
	v10 =	vld [tilespmem:s19+$0x800]  }
0x4b: {  	v4 =	vmax.f32 v4, v11;
	v11 =	vld [tilespmem:s19+$0x810]  }
0x4c: {  	v8 =	vld [tilespmem:s20+$0x70];
	v4 =	vmax.f32 v4, v12  }
0x4d: {  	v9 =	vmax.f32 v4, v9;
	v4 =	vld [tilespmem:s19+$0x830]  }
0x4e: {  	v9 =	vmax.f32 v9, v5;
	v5 =	vld [tilespmem:s19+$0x840]  }
0x4f: {  	v9 =	vmax.f32 v9, v6;
	v3 =	vmax.f32 v3, v10;
	v6 =	vld [tilespmem:s19+$0x850]  }
0x50: {  	v9 =	vmax.f32 v9, v7;
	v10 =	vmax.f32 v3, v11;
	v7 =	vld [tilespmem:s19+$0x860]  }
0x51: {  	s21 =	simm.s32 $0x400;
	s20 =	simm.s32 $0x80;
	v3 =	vmax.f32 v9, v8;
	v9 =	vmax.f32 v10, v63;
	v8 =	vld [tilespmem:s19+$0x870]  }
.LBB2_5:
0x52: {  	p0 =	sne.s32 s21, $0x1E00;
	v10 =	vld [tilespmem:s20+$0x800];
	v4 =	vmax.f32 v9, v4  }
0x53: {  	v9 =	vld [tilespmem:s20+$0x810];
	v4 =	vmax.f32 v4, v5  }
0x54: {  	v11 =	vld [tilespmem:s20+$0x820];
	v5 =	vmax.f32 v4, v6  }
.Ltmp5:
0x55: {  	v4 =	vld [tilespmem:s20+$0x830];
	v6 =	vmax.f32 v5, v7;
	(pc) =	sbr.rel @p0 .LBB2_5-.Ltmp5, $4  }
0x56: {  	v5 =	vld [tilespmem:s20+$0x840];
	v6 =	vmax.f32 v6, v8  }
0x57: {  	v7 =	vmax.f32 v6, v10;
	v6 =	vld [tilespmem:s20+$0x850]  }
0x58: {  	v8 =	vmax.f32 v7, v9;
	v7 =	vld [tilespmem:s20+$0x860]  }
0x59: {  	v9 =	vmax.f32 v8, v11;
	v8 =	vld [tilespmem:s20+$0x870];
	s20 =	sshra.s32 s21, $0x2;
	s21 =	sadd.s32 $0x200, s21  }
0x5a: {  	v10 =	vld [tilespmem:s20+$0x800]  }
0x5b: {  	v11 =	vld [tilespmem:s20+$0x810]  }
0x5c: {  	v12 =	vld [tilespmem:s20+$0x820]  }
0x5d: {  	v4 =	vmax.f32 v9, v4;
	v9 =	vld [tilespmem:s20+$0x830]  }
0x5e: {  	v13 =	vld [tilespmem:s20+$0x850];
	v4 =	vmax.f32 v4, v5  }
0x5f: {  	v14 =	vld [tilespmem:s20+$0x860];
	v4 =	vmax.f32 v4, v6  }
0x60: {  	v15 =	vld [tilespmem:s20+$0x870];
	v4 =	vmax.f32 v4, v7  }
0x61: {  	s19 =	simm.s32 $0x0;
	v5 =	vld [tilespmem:s20+$0x840];
	v4 =	vmax.f32 v4, v8  }
0x62: {  	v8 =	vld [tilespmem:s19+$0x1000];
	v4 =	vmax.f32 v4, v10  }
0x63: {  	v10 =	vld [tilespmem:s19+$0x1010];
	v4 =	vmax.f32 v4, v11  }
0x64: {  	v11 =	vld [tilespmem:s19+$0x1020];
	v4 =	vmax.f32 v4, v12  }
0x65: {  	v6 =	vld [tilespmem:s19+$0x1030];
	v4 =	vmax.f32 v4, v9  }
0x66: {  	v7 =	vld [tilespmem:s19+$0x1040];
	v4 =	vmax.f32 v4, v5;
	v5 =	vimm.f32 $-2.000000000e+00  }
0x67: {  	v4 =	vmax.f32 v4, v13;
	v9 =	vmax.f32 v5, v8;
	v8 =	vld [tilespmem:s19+$0x1050]  }
0x68: {  	v4 =	vmax.f32 v4, v14;
	v10 =	vmax.f32 v9, v10;
	v9 =	vld [tilespmem:s19+$0x1060]  }
0x69: {  	s21 =	simm.s32 $0x400;
	s20 =	simm.s32 $0x80;
	v4 =	vmax.f32 v4, v15;
	v11 =	vmax.f32 v10, v11;
	v10 =	vld [tilespmem:s19+$0x1070]  }
.LBB2_7:
0x6a: {  	p0 =	sne.s32 s21, $0x1E00;
	v12 =	vld [tilespmem:s20+$0x1000];
	v6 =	vmax.f32 v11, v6  }
0x6b: {  	v11 =	vld [tilespmem:s20+$0x1010];
	v6 =	vmax.f32 v6, v7  }
0x6c: {  	v13 =	vld [tilespmem:s20+$0x1020];
	v7 =	vmax.f32 v6, v8  }
.Ltmp6:
0x6d: {  	v6 =	vld [tilespmem:s20+$0x1030];
	v8 =	vmax.f32 v7, v9;
	(pc) =	sbr.rel @p0 .LBB2_7-.Ltmp6, $4  }
0x6e: {  	v7 =	vld [tilespmem:s20+$0x1040];
	v8 =	vmax.f32 v8, v10  }
0x6f: {  	v9 =	vmax.f32 v8, v12;
	v8 =	vld [tilespmem:s20+$0x1050]  }
0x70: {  	v10 =	vmax.f32 v9, v11;
	v9 =	vld [tilespmem:s20+$0x1060]  }
0x71: {  	v11 =	vmax.f32 v10, v13;
	v10 =	vld [tilespmem:s20+$0x1070];
	s20 =	sshra.s32 s21, $0x2;
	s21 =	sadd.s32 $0x200, s21  }
0x72: {  	v12 =	vld [tilespmem:s20+$0x1000]  }
0x73: {  	v13 =	vld [tilespmem:s20+$0x1010]  }
0x74: {  	v14 =	vld [tilespmem:s20+$0x1020]  }
0x75: {  	v6 =	vmax.f32 v11, v6;
	v11 =	vld [tilespmem:s20+$0x1030]  }
0x76: {  	v61 =	vld [tilespmem:s19+$0x1800];
	v6 =	vmax.f32 v6, v7  }
0x77: {  	v62 =	vld [tilespmem:s19+$0x1810];
	v6 =	vmax.f32 v6, v8  }
0x78: {  	v63 =	vld [tilespmem:s19+$0x1820];
	v6 =	vmax.f32 v6, v9  }
0x79: {  	v7 =	vld [tilespmem:s20+$0x1040];
	v6 =	vmax.f32 v6, v10  }
0x7a: {  	v8 =	vld [tilespmem:s20+$0x1050];
	v6 =	vmax.f32 v6, v12  }
0x7b: {  	v9 =	vld [tilespmem:s20+$0x1060];
	v6 =	vmax.f32 v6, v13  }
0x7c: {  	v10 =	vld [tilespmem:s20+$0x1070];
	v6 =	vmax.f32 v6, v14  }
0x7d: {  	v11 =	vmax.f32 v6, v11;
	v6 =	vld [tilespmem:s19+$0x1830]  }
0x7e: {  	v11 =	vmax.f32 v11, v7;
	v7 =	vld [tilespmem:s19+$0x1840]  }
0x7f: {  	v5 =	vmax.f32 v5, v61;
	v11 =	vmax.f32 v11, v8;
	v8 =	vld [tilespmem:s19+$0x1850]  }
0x80: {  	v12 =	vmax.f32 v5, v62;
	v11 =	vmax.f32 v11, v9;
	v9 =	vld [tilespmem:s19+$0x1860]  }
0x81: {  	s21 =	simm.s32 $0x400;
	s20 =	simm.s32 $0x80;
	v5 =	vmax.f32 v11, v10;
	v11 =	vmax.f32 v12, v63;
	v10 =	vld [tilespmem:s19+$0x1870]  }
.LBB2_9:
0x82: {  	p0 =	sne.s32 s21, $0x1E00;
	v12 =	vld [tilespmem:s20+$0x1800];
	v6 =	vmax.f32 v11, v6  }
0x83: {  	v11 =	vld [tilespmem:s20+$0x1810];
	v6 =	vmax.f32 v6, v7  }
0x84: {  	v13 =	vld [tilespmem:s20+$0x1820];
	v7 =	vmax.f32 v6, v8  }
.Ltmp7:
0x85: {  	v6 =	vld [tilespmem:s20+$0x1830];
	v8 =	vmax.f32 v7, v9;
	(pc) =	sbr.rel @p0 .LBB2_9-.Ltmp7, $4  }
0x86: {  	v7 =	vld [tilespmem:s20+$0x1840];
	v8 =	vmax.f32 v8, v10  }
0x87: {  	v9 =	vmax.f32 v8, v12;
	v8 =	vld [tilespmem:s20+$0x1850]  }
0x88: {  	v10 =	vmax.f32 v9, v11;
	v9 =	vld [tilespmem:s20+$0x1860]  }
0x89: {  	v11 =	vmax.f32 v10, v13;
	v10 =	vld [tilespmem:s20+$0x1870];
	s20 =	sshra.s32 s21, $0x2;
	s21 =	sadd.s32 $0x200, s21  }
0x8a: {  	v12 =	vld [tilespmem:s20+$0x1800];
	v6 =	vmax.f32 v11, v6  }
0x8b: {  	v57 =	vld [tilespmem:s20+$0x1810];
	v6 =	vmax.f32 v6, v7  }
0x8c: {  	v58 =	vld [tilespmem:s20+$0x1820];
	v6 =	vmax.f32 v6, v8  }
0x8d: {  	v59 =	vld [tilespmem:s20+$0x1830];
	v6 =	vmax.f32 v6, v9  }
0x8e: {  	v60 =	vld [tilespmem:s20+$0x1840];
	v6 =	vmax.f32 v6, v10  }
0x8f: {  	v61 =	vld [tilespmem:s20+$0x1850];
	v6 =	vmax.f32 v6, v12  }
0x90: {  	v62 =	vld [tilespmem:s20+$0x1860];
	v6 =	vmax.f32 v6, v57  }
0x91: {  	v63 =	vld [tilespmem:s20+$0x1870];
	v6 =	vmax.f32 v6, v58  }
0x92: {  	v6 =	vmax.f32 v6, v59  }
0x93: {  	v6 =	vmax.f32 v6, v60  }
0x94: {  	v6 =	vmax.f32 v6, v61  }
0x95: {  	v6 =	vmax.f32 v6, v62  }
0x96: {  	v6 =	vmax.f32 v6, v63  }
0x97: {  	v3 =	vmin.f32 v3, v4;
	v4 =	vmin.f32 v5, v6  }
0x98: {  	v3 =	vmin.f32 v3, v4  }
0x99: {  	v3 =	vsub.f32 $0.0e+00, v3;
	_ =	sdelay $0x1  }
0x9a: {  	(xrf0) =	vmax.scan.msk.f32 $0xffff, v3;
	_ =	sdelay $0x5  }
0x9b: {  	v3, _, _ =	vpop (xrf0)  }
0x9c: {  	(v2sf) =	vpush v3, $0xF;
	_ =	sdelay $0xe  }
0x9d: {  	s19 =	spop (v2sf)  }
0x9e: {  	s19 =	ssub.f32 $0.0e+00, s19;
	_ =	sdelay $0x1  }
0x9f: {  	s21 =	simm.s32 $0x0;
	s20 =	simm.s32 $0x40;
	v3 =	vmov s19;
	s19 =	simm.s32 $0x70  }
.LBB2_11:
0xa0: {  	v4 =	vld [tilespmem:s20+$0xFFFFFFC0];
	_ =	sdelay $0x4  }
0xa1: {  	vm0 =	vge.f32 v4, v3  }
0xa2: {  	v5 =	vsel vm0, $0x1, v0  }
0xa3: {  	(xrf0) =	vadd.scan.msk.s32 $0xffff, v5;
	_ =	sdelay $0x2  }
0xa4: {  	v5 =	vmov s21  }
0xa5: {  	v5 =	vadd.s32 $0xFFFFFFFF, v5  }
0xa6: {  	v5 =	vbroadcast v5, $0x0  }
0xa7: {  	v6, _, _ =	vpop (xrf0)  }
0xa8: {  	v5 =	vadd.s32 v6, v5;
	(v2sf) =	vpush v6, $0xF;
	_ =	sdelay $0x3  }
0xa9: {  	s22 =	sadd.s32 $0xFFFFFF90, s19  }
0xaa: {  	[tilespmem:v5+s11+$0x0] =	vst.idx.msk vm0, v4;
	v4 =	vor.u32 s22, v1  }
0xab: {  	[tilespmem:v5+s12+$0x0] =	vst.idx.msk vm0, v4  }
0xac: {  	v4 =	vld [tilespmem:s20+$0xFFFFFFD0];
	_ =	sdelay $0x4  }
0xad: {  	vm9 =	vge.f32 v4, v3  }
0xae: {  	v5 =	vsel vm9, $0x1, v0  }
0xaf: {  	(xrf0) =	vadd.scan.msk.s32 $0xffff, v5  }
0xb0: {  	s24 =	spop (v2sf)  }
0xb1: {  	s25 =	sadd.s32 s21, s24  }
0xb2: {  	v5 =	vmov s25  }
0xb3: {  	v5 =	vadd.s32 $0xFFFFFFFF, v5  }
0xb4: {  	v5 =	vbroadcast v5, $0x0  }
0xb5: {  	v57, _, _ =	vpop (xrf0)  }
0xb6: {  	v5 =	vadd.s32 v57, v5;
	(v2sf) =	vpush v57, $0xF;
	_ =	sdelay $0x3  }
0xb7: {  	s26 =	sadd.s32 $0xFFFFFFA0, s19  }
0xb8: {  	[tilespmem:v5+s11+$0x0] =	vst.idx.msk vm9, v4;
	v4 =	vor.u32 s26, v1  }
0xb9: {  	[tilespmem:v5+s12+$0x0] =	vst.idx.msk vm9, v4  }
0xba: {  	v4 =	vld [tilespmem:s20+$0xFFFFFFE0];
	_ =	sdelay $0x4  }
0xbb: {  	vm10 =	vge.f32 v4, v3  }
0xbc: {  	v5 =	vsel vm10, $0x1, v0  }
0xbd: {  	(xrf0) =	vadd.scan.msk.s32 $0xffff, v5  }
0xbe: {  	s28 =	spop (v2sf)  }
0xbf: {  	s21 =	sadd.s32 s25, s28  }
0xc0: {  	v5 =	vmov s21  }
0xc1: {  	v5 =	vadd.s32 $0xFFFFFFFF, v5  }
0xc2: {  	v5 =	vbroadcast v5, $0x0  }
0xc3: {  	v58, _, _ =	vpop (xrf0)  }
0xc4: {  	v5 =	vadd.s32 v58, v5;
	(v2sf) =	vpush v58, $0xF;
	_ =	sdelay $0x3  }
0xc5: {  	s29 =	sadd.s32 $0xFFFFFFB0, s19  }
0xc6: {  	[tilespmem:v5+s11+$0x0] =	vst.idx.msk vm10, v4;
	v4 =	vor.u32 s29, v1  }
0xc7: {  	[tilespmem:v5+s12+$0x0] =	vst.idx.msk vm10, v4  }
0xc8: {  	v4 =	vld [tilespmem:s20+$0xFFFFFFF0];
	_ =	sdelay $0x4  }
0xc9: {  	vm11 =	vge.f32 v4, v3  }
0xca: {  	v5 =	vsel vm11, $0x1, v0  }
0xcb: {  	(xrf0) =	vadd.scan.msk.s32 $0xffff, v5  }
0xcc: {  	s30 =	spop (v2sf)  }
0xcd: {  	s21 =	sadd.s32 s21, s30  }
0xce: {  	v5 =	vmov s21  }
0xcf: {  	v5 =	vadd.s32 $0xFFFFFFFF, v5  }
0xd0: {  	v5 =	vbroadcast v5, $0x0  }
0xd1: {  	v59, _, _ =	vpop (xrf0)  }
0xd2: {  	v5 =	vadd.s32 v59, v5;
	(v2sf) =	vpush v59, $0xF;
	_ =	sdelay $0x3  }
0xd3: {  	s31 =	sadd.s32 $0xFFFFFFC0, s19  }
0xd4: {  	[tilespmem:v5+s11+$0x0] =	vst.idx.msk vm11, v4;
	v4 =	vor.u32 s31, v1  }
0xd5: {  	[tilespmem:v5+s12+$0x0] =	vst.idx.msk vm11, v4  }
0xd6: {  	v4 =	vld [tilespmem:s20+$0x0];
	_ =	sdelay $0x4  }
0xd7: {  	vm12 =	vge.f32 v4, v3  }
0xd8: {  	v5 =	vsel vm12, $0x1, v0  }
0xd9: {  	(xrf0) =	vadd.scan.msk.s32 $0xffff, v5  }
0xda: {  	s23 =	spop (v2sf)  }
0xdb: {  	s21 =	sadd.s32 s21, s23  }
0xdc: {  	v5 =	vmov s21  }
0xdd: {  	v5 =	vadd.s32 $0xFFFFFFFF, v5  }
0xde: {  	v5 =	vbroadcast v5, $0x0  }
0xdf: {  	v60, _, _ =	vpop (xrf0)  }
0xe0: {  	v5 =	vadd.s32 v60, v5;
	(v2sf) =	vpush v60, $0xF;
	_ =	sdelay $0x3  }
0xe1: {  	s24 =	sadd.s32 $0xFFFFFFD0, s19  }
0xe2: {  	[tilespmem:v5+s11+$0x0] =	vst.idx.msk vm12, v4;
	v4 =	vor.u32 s24, v1  }
0xe3: {  	[tilespmem:v5+s12+$0x0] =	vst.idx.msk vm12, v4  }
0xe4: {  	v4 =	vld [tilespmem:s20+$0x10];
	_ =	sdelay $0x4  }
0xe5: {  	vm13 =	vge.f32 v4, v3  }
0xe6: {  	v5 =	vsel vm13, $0x1, v0  }
0xe7: {  	(xrf0) =	vadd.scan.msk.s32 $0xffff, v5  }
0xe8: {  	s25 =	spop (v2sf)  }
0xe9: {  	s21 =	sadd.s32 s21, s25  }
0xea: {  	v5 =	vmov s21  }
0xeb: {  	v5 =	vadd.s32 $0xFFFFFFFF, v5  }
0xec: {  	v5 =	vbroadcast v5, $0x0  }
0xed: {  	v61, _, _ =	vpop (xrf0)  }
0xee: {  	v5 =	vadd.s32 v61, v5;
	(v2sf) =	vpush v61, $0xF;
	_ =	sdelay $0x3  }
0xef: {  	s26 =	sadd.s32 $0xFFFFFFE0, s19  }
0xf0: {  	[tilespmem:v5+s11+$0x0] =	vst.idx.msk vm13, v4;
	v4 =	vor.u32 s26, v1  }
0xf1: {  	[tilespmem:v5+s12+$0x0] =	vst.idx.msk vm13, v4  }
0xf2: {  	v4 =	vld [tilespmem:s20+$0x20];
	_ =	sdelay $0x4  }
0xf3: {  	vm14 =	vge.f32 v4, v3  }
0xf4: {  	v5 =	vsel vm14, $0x1, v0  }
0xf5: {  	(xrf0) =	vadd.scan.msk.s32 $0xffff, v5  }
0xf6: {  	s28 =	spop (v2sf)  }
0xf7: {  	s21 =	sadd.s32 s21, s28  }
0xf8: {  	v5 =	vmov s21  }
0xf9: {  	v5 =	vadd.s32 $0xFFFFFFFF, v5  }
0xfa: {  	v5 =	vbroadcast v5, $0x0  }
0xfb: {  	v62, _, _ =	vpop (xrf0)  }
0xfc: {  	v5 =	vadd.s32 v62, v5;
	_ =	sdelay $0x3  }
0xfd: {  	s29 =	sadd.s32 $0xFFFFFFF0, s19  }
0xfe: {  	[tilespmem:v5+s11+$0x0] =	vst.idx.msk vm14, v4;
	v4 =	vor.u32 s29, v1  }
0xff: {  	[tilespmem:v5+s12+$0x0] =	vst.idx.msk vm14, v4  }
0x100: {  	v4 =	vld [tilespmem:s20+$0x30];
	_ =	sdelay $0x2  }
0x101: {  	(v2sf) =	vpush v62, $0xF;
	_ =	sdelay $0x1  }
0x102: {  	vm15 =	vge.f32 v4, v3  }
0x103: {  	v5 =	vsel vm15, $0x1, v0  }
0x104: {  	(xrf0) =	vadd.scan.msk.s32 $0xffff, v5;
	_ =	sdelay $0x5  }
0x105: {  	v5, _, _ =	vpop (xrf0)  }
0x106: {  	(v2sf) =	vpush v5, $0xF;
	_ =	sdelay $0x3  }
0x107: {  	s30 =	spop (v2sf)  }
0x108: {  	s21 =	sadd.s32 s21, s30  }
0x109: {  	v63 =	vmov s21  }
0x10a: {  	v6 =	vadd.s32 $0xFFFFFFFF, v63  }
0x10b: {  	v6 =	vbroadcast v6, $0x0;
	_ =	sdelay $0x1  }
0x10c: {  	v5 =	vadd.s32 v5, v6  }
0x10d: {  	p0 =	sne.s32 s19, $0x1FF0  }
.Ltmp8:
0x10e: {  	_ = 	snop;
	(pc) =	sbr.rel @p0 .LBB2_11-.Ltmp8, $3  }
0x10f: {  	_ =	sdelay $0x1  }
0x110: {  	[tilespmem:v5+s11+$0x0] =	vst.idx.msk vm15, v4;
	v4 =	vor.u32 s19, v1;
	s31 =	spop (v2sf)  }
0x111: {  	s20 =	sadd.s32 $0x80, s20;
	s19 =	sadd.s32 $0x80, s19;
	[tilespmem:v5+s12+$0x0] =	vst.idx.msk vm15, v4;
	s21 =	sadd.s32 s21, s31  }
0x112: {  	v3 =	vadd.s32 s21, v1;
	s19 =	sadd.s32 $0x10, s21  }
0x113: {  	s28 =	sadd.s32 $0x20, s21;
	s20 =	sadd.s32 $0x3F, s21;
	v4 =	vadd.s32 s19, v1  }
0x114: {  	s29 =	sadd.s32 $0x30, s21;
	v5 =	vadd.s32 s28, v1;
	s30 =	sand.u32 $0x3F, s20  }
0x115: {  	v6 =	vadd.s32 s29, v1;
	s31 =	sshra.s32 s20, $0x1F;
	p0 =	slt.s32 s20, $0x1;
	p1 =	sne.s32 s30, $0x0  }
.Ltmp9:
0x116: {  	s19 =	sshrl.u32 s31, $0x1A;
	p0 =	por !p0, !p1;
	(pc) =	sbr.rel .LBB2_13-.Ltmp9, $4  }
0x117: {  	s19 =	sadd.s32 s19, s20;
	s20 =	simm.s32 $0x1;
	p0 =	por !p0, !p0;
	[tilespmem:v3+s11+$0x0] =	vst.idx.msk $0xffff, v2  }
0x118: {  	s19 =	sshra.s32 s19, $0x6;
	s20 =	simm.s32 @!p0 $0x0;
	[tilespmem:v4+s11+$0x0] =	vst.idx.msk $0xffff, v2  }
0x119: {  	s21 =	simm.f32 $0.0e+00;
	s19 =	ssub.s32 s19, s20;
	[tilespmem:v5+s11+$0x0] =	vst.idx.msk $0xffff, v2  }
0x11a: {  	s22 =	simm.s32 $0x0;
	s20 =	simm.s32 $0x0;
	p0 =	slt.s32 s19, $0x1;
	[tilespmem:v6+s11+$0x0] =	vst.idx.msk $0xffff, v2  }
.LBB2_15:
0x11b: {  	s24 =	simm.s32 $0x0  }
.LBB2_19:
0x11c: {  	vm0 =	vgt.f32 @p1 v6, v9  }
0x11d: {  	v6 =	vsel @p1 vm0, v6, v9  }
0x11e: {  	v62 =	vld [tilespmem:s23+$0xFFFFFFF0];
	vm1 =	vgt.f32 @p1 v7, v6  }
0x11f: {  	v6 =	vsel @p1 vm1, v7, v6  }
0x120: {  	v7 =	vld [tilespmem:s23+$0x0];
	v4 =	vpsel p1, v6, v4  }
0x121: {  	s25 =	sadd.s32 @p1 $0x30, s24;
	v6 =	vor.u32 @p1 s26, v1;
	vm2 =	vgt.f32 v5, v4  }
0x122: {  	s24 =	sadd.s32 @p1 $0x40, s24;
	v6 =	vsel @p1 vm0, v6, v8;
	v8 =	vor.u32 @p1 s25, v1;
	s25 =	simm.s32 $0x0;
	v4 =	vsel vm2, v5, v4;
	v5 =	vld [tilespmem:s23+$0x10]  }
0x123: {  	v6 =	vsel @p1 vm1, v8, v6;
	s25 =	smov.u32 @p1 s24;
	vm13 =	vgt.f32 v62, v4  }
0x124: {  	v63 =	vor.u32 s25, v1;
	v3 =	vpsel p1, v6, v3;
	s29 =	sadd.s32 $0x10, s25;
	v4 =	vsel vm13, v62, v4  }
0x125: {  	s30 =	sadd.s32 $0x20, s25;
	v3 =	vsel vm2, v63, v3;
	v6 =	vor.u32 s29, v1;
	vm14 =	vgt.f32 v7, v4  }
0x126: {  	s31 =	sadd.s32 $0x30, s25;
	v3 =	vsel vm13, v6, v3;
	v6 =	vor.u32 s30, v1;
	v4 =	vsel vm14, v7, v4  }
0x127: {  	v3 =	vsel vm14, v6, v3;
	v6 =	vor.u32 s31, v1;
	vm15 =	vgt.f32 v5, v4  }
0x128: {  	v3 =	vsel vm15, v6, v3  }
0x129: {  	v4 =	vsel vm15, v5, v4;
	v3 =	vsub.s32 $0x80000000, v3  }
.LBB2_20:
0x12a: {  	(xrf0) =	vmax.scan.msk.f32 $0xffff, v4;
	_ =	sdelay $0x5  }
0x12b: {  	v5, _, _ =	vpop (xrf0)  }
0x12c: {  	v6 =	vbroadcast v5, $0xF;
	_ =	sdelay $0x1  }
0x12d: {  	vm0 =	veq.f32 v4, v6  }
0x12e: {  	v3 =	vnsel vm0, $0x40000000, v3  }
0x12f: {  	(xrf0) =	vmax.scan.msk.u32 $0xffff, v3;
	_ =	sdelay $0x5  }
0x130: {  	(v2sf) =	vpush v5, $0xF;
	v3, _, _ =	vpop (xrf0)  }
0x131: {  	(v2sf) =	vpush v3, $0xF;
	_ =	sdelay $0xd  }
0x132: {  	s23 =	spop (v2sf)  }
0x133: {  	s24 =	spop (v2sf)  }
0x134: {  	s24 =	sxor.u32 $0x7FFFFFFF, s24  }
0x135: {  	s24 =	sadd.s32 $0x1, s24  }
0x136: {  	v3 =	vmov s24;
	_ =	sdelay $0x3  }
0x137: {  	v62 =	vmov s22  }
0x138: {  	s22 =	sadd.s32 $0x1, s22;
	v63 =	vld.idx.msk [tilespmem:v3+s12+$0x0], $0xffff  }
0x139: {  	p1 =	sne.s32 s22, $0x40  }
.Ltmp10:
0x13a: {  	_ = 	snop;
	(pc) =	sbr.rel @!p1 .LBB2_21-.Ltmp10, $4  }
0x13b: {  	_ = 	snop  }
0x13c: {  	[tilespmem:v62+s13+$0x0] =	vst.idx.msk $0x1, v6  }
0x13d: {  	s21 =	sadd.f32 s23, s21;
	[tilespmem:v62+s14+$0x0] =	vst.idx.msk $0x1, v63  }
0x13e: {  	[tilespmem:v3+s11+$0x0] =	vst.idx.msk $0x1, v2  }
.LBB2_13:
.Ltmp11:
0x13f: {  	(pc) =	sbr.rel @p0 .LBB2_20-.Ltmp11, $2  }
0x140: {  	_ =	sdelay $0x2  }
0x141: {  	v4 =	vimm.f32 $-2.000000000e+00;
	v3 =	vimm.s32 $0x40000000;
	s23 =	simm.s32 $0x2020  }
0x142: {  	p2 =	sne.s32 s19, $0x1  }
.Ltmp12:
0x143: {  	_ = 	snop;
	(pc) =	sbr.rel @!p2 .LBB2_15-.Ltmp12, $2  }
0x144: {  	_ =	sdelay $0x2  }
0x145: {  	v5 =	vld [tilespmem:s23+$0xFFFFFFE0];
	s24 =	sadd.s32 $0xFFFFFFFF, s19;
	p1 =	por $0x0, $0x0  }
0x146: {  	_ = 	snop  }
0x147: {  	v8 =	vld [tilespmem:s23+$0xFFFFFFF0]  }
0x148: {  	p2 =	sne.s32 s24, $0x1  }
.Ltmp13:
0x149: {  	v6 =	vld [tilespmem:s23+$0x0];
	(pc) =	sbr.rel @!p2 .LBB2_17-.Ltmp13, $4  }
0x14a: {  	vm0 =	vgt.f32 v5, v4  }
0x14b: {  	v9 =	vor.u32 s20, v1;
	s25 =	sadd.s32 $0x10, s20;
	v7 =	vld [tilespmem:s23+$0x10];
	v10 =	vsel vm0, v5, v4  }
0x14c: {  	s23 =	sadd.s32 $0x40, s23;
	s26 =	sadd.s32 $0x20, s20;
	v12 =	vor.u32 s25, v1;
	v11 =	vsel vm0, v9, v3;
	vm15 =	vgt.f32 v8, v10  }
0x14d: {  	p1 =	por $0x1, $0x1;
	s25 =	sadd.s32 $0xFFFFFFFF, s24;
	s24 =	simm.s32 $0x0;
	v5 =	vld [tilespmem:s23+$0xFFFFFFE0];
	v9 =	vsel vm15, v8, v10;
	v8 =	vsel vm15, v12, v11  }
.LBB2_18:
0x14e: {  	p2 =	sne.s32 s25, $0x1;
	vm0 =	vgt.f32 v6, v9;
	v10 =	vor.u32 s26, v1  }
0x14f: {  	s26 =	sadd.s32 $0x30, s24;
	v11 =	vld [tilespmem:s23+$0xFFFFFFF0];
	v9 =	vsel vm0, v6, v9;
	v8 =	vsel vm0, v10, v8  }
0x150: {  	v10 =	vor.u32 s26, v1;
	vm0 =	vgt.f32 v7, v9  }
.Ltmp14:
0x151: {  	s24 =	sadd.s32 $0x40, s24;
	v6 =	vld [tilespmem:s23+$0x0];
	v7 =	vsel vm0, v7, v9;
	v8 =	vsel vm0, v10, v8;
	(pc) =	sbr.rel @p2 .LBB2_18-.Ltmp14, $4  }
0x152: {  	v9 =	vor.u32 s24, v1;
	vm0 =	vgt.f32 v5, v7  }
0x153: {  	s26 =	sadd.s32 $0x10, s24;
	v10 =	vsel vm0, v5, v7;
	v8 =	vsel vm0, v9, v8;
	v7 =	vld [tilespmem:s23+$0x10]  }
0x154: {  	v12 =	vor.u32 s26, v1;
	s23 =	sadd.s32 $0x40, s23;
	vm0 =	vgt.f32 v11, v10  }
0x155: {  	s25 =	sadd.s32 $0xFFFFFFFF, s25;
	s26 =	sadd.s32 $0x20, s24;
	v5 =	vld [tilespmem:s23+$0xFFFFFFE0];
	v9 =	vsel vm0, v11, v10;
	v8 =	vsel vm0, v12, v8  }
.Ltmp15:
0x156: {  	_ = 	snop;
	(pc) =	sbr.rel .LBB2_19-.Ltmp15, $1  }
0x157: {  	_ =	sdelay $0x3  }
.LBB2_17:
.Ltmp16:
0x158: {  	(pc) =	sbr.rel .LBB2_19-.Ltmp16, $2  }
0x159: {  	_ =	sdelay $0x2  }
0x15a: {  	s24 =	simm.s32 $0x0  }
.LBB2_23:
0x15b: {  	_ =	sfence.sel $0x180000  }
0x15c: {  	[bflag:$0x0] =	sbarrier.arrive $0xFFFF  }
0x15d: {  	p0 =	sne.s32 s3, $0x0;
	_ =	strace $0x90000047  }
0x15e: {  	s0 =	sadd.s32 @!p0 $0x100000, s0;
	[bflag:$0x2] =	sbarrier.arrive $0xFFFF  }
0x15f: {  	[sflag:s0] =	ssyncadd.tile.s32 @!p0 $0x1;
	_ =	shalt  }
.Lfunc_end2:
_tile_overlayer_lowered:
.L_overlay_start_2:
0x160: {  	(tag) =	ssettag $0x2  }
0x161: {  	s0 =	rddreg [dreg:$0x0];
	s2 =	stileid.u32  }
0x162: {  	s1 =	rddreg [dreg:$0x1];
	p0 =	sne.s32 s2, $0x0  }
0x163: {  	s3 =	rddreg [dreg:$0x2];
	[bflag:$0x3] =	sbarrier.arrive $0xFFFF;
	s2 =	simm.s32 @!p0 $0x1C01  }
0x164: {  	[timem:s3], [sflag:s2] =	dma.local @!p0 [hbm:s0], s1  }
0x165: {  	s0 =	simm.s32 @!p0 $0x1  }
0x166: {  	_ =	swait.ge @!p0 [sflag:s0], s1  }
0x167: {  	s1 =	ssub.s32 @!p0 $0x0, s1;
	[sflag:s0] =	ssyncset.done @!p0 $0x0  }
0x168: {  	[sflag:s0] =	ssyncadd.s32 @!p0 s1  }
0x169: {  	[bflag:$0x3] =	sbarrier.arrive $0xFFFF  }
0x16a: {  	_ =	shalt  }

// kernel: sparse-core-data-format-call.1.cloned.1.call-start
scs
called_computation.1_lowered:
.L_overlay_start_0:
0x0: {  	s1 =	sld [smem:$0x3FD9]  }
0x1: {  	s2 =	sld [smem:$0x3FFE];
	_ =	sdelay $0x1  }
0x2: {  	s3 =	srdreg.scid  }
0x3: {  	s0 =	sand.u32 $0x1, s3  }
0x4: {  	s17 =	sshll.u32 s0, $0xA;
	s1 =	sadd.s32 s2, s1  }
0x5: {  	s1 =	sadd.s32 s1, s17  }
0x6: {  	[smem:$0x3FC1] =	sst s1  }
0x7: {  	_ = 	snop  }
0x8: {  	(tm) =	ssettm $0x1  }
0x9: {  	s18 =	sld [smem:$0x3FFB];
	_ =	sdelay $0x3  }
0xa: {  	_ =	strace s18  }
0xb: {  	s1 =	sld [smem:$0x3FFC];
	_ =	sdelay $0x3  }
0xc: {  	_ =	strace s1  }
0xd: {  	s1 =	sld [smem:$0x3FFD];
	_ =	sdelay $0x3  }
0xe: {  	_ =	strace s1  }
0xf: {  	_ =	strace $0x8FFFFFFF  }
0x10: {  	s19 =	sld [smem:$0x3FDB];
	_ =	sdelay $0x1  }
0x11: {  	s20 =	simm.s32 $_scs_section_size  }
0x12: {  	s4 =	simm.s32 $_size__tile_overlayer_lowered;
	s5 =	simm.s32 $_tile_overlayer_lowered  }
0x13: {  	s23 =	simm.s32 $0x1BFF;
	s22 =	sshll.u32 s5, $0x1;
	s1 =	sadd.s32 s20, s19  }
0x14: {  	s6 =	simm.s32 $0x0;
	s21 =	sshll.u32 s4, $0x1;
	s4 =	sadd.s32 s22, s1  }
0x15: {  	[timem:s6], [sflag:s23] =	dma.local [hbm:s4], s21  }
0x16: {  	_ =	swait.ge [sflag:s23], s21  }
0x17: {  	s2 =	ssub.s32 $0x0, s21;
	[sflag:s23] =	ssyncset.done $0x0  }
0x18: {  	[sflag:s23] =	ssyncadd.s32 s2;
	_ =	sdelay $0x1  }
0x19: {  	s24 =	simm.s32 $0x1B8B  }
0x1a: {  	_ =	swait.ge [sflag:s24], $0x1  }
0x1b: {  	[sflag:s24] =	ssyncset.done $0x0  }
0x1c: {  	s26 =	simm.s32 $0x1B8E;
	s25 =	sld [smem:$0x3FFE];
	[sflag:s24] =	ssyncadd.s32 $0xFFFFFFFF  }
0x1d: {  	s27 =	simm.s32 $execute0_lowered;
	[smem:$0x3FD2] =	sst s26  }
0x1e: {  	s4 =	sshll.u32 s27, $0x1;
	_ =	strace $0x80000049;
	[dreg:$0x1] =	wrdreg $0xFFFFFFFF  }
0x1f: {  	s28 =	simm.s32 $_size_execute0_lowered;
	s1 =	sadd.s32 s1, s4;
	[dreg:$0x0] =	wrdreg $0x0  }
0x20: {  	s4 =	sshll.u32 s28, $0x1;
	[dreg:$0x2] =	wrdreg s1  }
0x21: {  	[dreg:$0x3] =	wrdreg s4  }
0x22: {  	[dreg:$0x4] =	wrdreg $0xC0  }
0x23: {  	_ =	task [dreg:s6], $0x5FFFF  }
0x24: {  	[dreg:$0x1] =	wrdreg $0xFFFFFFFF  }
0x25: {  	[dreg:$0x0] =	wrdreg $0x60  }
0x26: {  	[dreg:$0x2] =	wrdreg s25  }
0x27: {  	[dreg:$0x3] =	wrdreg $0x9  }
0x28: {  	_ =	task.clear_ibuf [dreg:s6], $0x4FFFF;
	_ =	strace $0x90000049  }
0x29: {  	s29 =	simm.s32 $0x9;
	_ =	strace $0x8000004B  }
0x2a: {  	_ =	swait.ge [sflag:s29], $0x1  }
0x2b: {  	[sflag:s29] =	ssyncadd.s32 $0xFFFFFFFF  }
0x2c: {  	_ =	strace $0x9000004B  }
0x2d: {  	_ =	sfence  }
0x2e: {  	s30 =	sld [smem:$0x0];
	_ =	sdelay $0x2  }
0x2f: {  	s31 =	sshll.u32 s3, $0xD;
	s3 =	sshrl.u32 s3, $0x2  }
0x30: {  	s2 =	sand.u32 $0x4000, s31;
	s1 =	sadd.s32 s3, s30  }
0x31: {  	s0 =	sor.u32 s2, s0;
	s1 =	sshll.u32 s1, $0x11  }
0x32: {  	s0 =	sor.u32 s1, s0  }
0x33: {  	s0 =	sadd.s32 $0x8F2B, s0  }
0x34: {  	[sflag:s0] =	ssyncadd.remote.s32 $0x1  }
0x35: {  	_ =	sfence.sel $0xFFFF  }
0x36: {  	[dreg:$0x0] =	wrdreg $0xFFFFFFFF;
	(pc) =	sbr.abs _section_cstart, $3  }
0x37: {  	[dreg:$0x1] =	wrdreg $0xFFFFFFFF  }
0x38: {  	_ =	task.clear_ibuf [dreg:s6], $0x2FFFF;
	_ =	strace $0x9FFFFFFF  }
0x39: {  	(tm) =	ssettm $0x7FFFFFFF  }
tec
execute0_lowered:
.L_overlay_start_1:
0x0: {  	(tag) =	ssettag $0x1  }
0x1: {  	s0 =	stileid.u32  }
0x2: {  	s1 =	srdreg.scid;
	s2 =	rddreg [dreg:$0x0];
	s8 =	simm.s32 $0x0  }
0x3: {  	s31 =	simm.s32 $0x2;
	s16 =	simm.s32 $0x0;
	s10 =	simm.s32 $0x8000  }
0x4: {  	s15 =	simm.s32 $0x0;
	s17 =	simm.s32 $0x0;
	s11 =	simm.s32 $0x0  }
0x5: {  	s3 =	sshll.u32 s0, $0x1;
	s4 =	sshll.u32 s0, $0x5;
	s1 =	sshll.u32 s1, $0x9  }
0x6: {  	s14 =	simm.s32 $0x0;
	s3 =	sand.u32 $0x6, s3;
	s4 =	sor.u32 s4, s1  }
0x7: {  	s1 =	rddreg [dreg:$0x1];
	s4 =	sand.u32 $0x380, s4;
	s5 =	ssub.s32 $0x8, s3  }
0x8: {  	_ =	strace $0x8000004A;
	s6 =	sand.u32 $0x6, s5;
	s7 =	ssub.s32 $0x2000, s4  }
0x9: {  	p0 =	seq.s32 s6, $0x0;
	s29 =	sand.u32 $0x380, s7;
	s6 =	simm.s32 $0x1  }
0xa: {  	s7 =	sshrl.u32 s7, $0xA;
	p1 =	sne.s32 s29, $0x0;
	s8 =	simm.s32 @!p0 $0x8  }
.Ltmp0:
0xb: {  	s6 =	simm.s32 @!p1 $0x0;
	s8 =	sadd.s32 s8, s5;
	(pc) =	sbr.rel .LBB1_1-.Ltmp0, $4  }
0xc: {  	s13 =	smov.u32 s3;
	s6 =	sadd.s32 s6, s7;
	s30 =	sand.u32 $0x18, s8  }
0xd: {  	s12 =	smov.u32 s4;
	s5 =	simm.s32 $0x1;
	s6 =	smul.u32 s6, s30  }
0xe: {  	p0 =	por $0x0, $0x0;
	[sflag:s5] =	ssyncpa.u1 $0x0;
	s7 =	sadd.s32 $0x400000, s2  }
0xf: {  	s8 =	sadd.s32 $0x80000, s2;
	[sflag:s31] =	ssyncpa.u1 $0x0;
	s9 =	sor.u32 $0x1, s6  }
.LBB1_4:
0x10: {  	[tilespmem:s18+$0x1830 ss:$0x81] =	vst.msk $0xffff, v13;
	v7 =	vpack.i.b32.b16 v9, v7  }
0x11: {  	v50 =	vpack.i.b32.b16 v12, v10;
	[tilespmem:s18+$0x1831 ss:$0x81] =	vst.msk $0xffff, v7  }
0x12: {  	v51 =	vunpack.i.l.s16.s32 v4;
	v52 =	vunpack.i.l.s16.s32 v6;
	v53 =	vpack.i.b32.b16 v11, v8;
	[tilespmem:s18+$0x2040 ss:$0x81] =	vst.msk $0xffff, v50  }
0x13: {  	s21 =	sshll.u32 s15, $0x3;
	v57 =	vunpack.i.l.s16.s32 v5;
	v56 =	vpack.i.b32.b16 v52, v51;
	[tilespmem:s18+$0x2041 ss:$0x81] =	vst.msk $0xffff, v53  }
0x14: {  	v54 =	vunpack.i.u.s16.s32 v4;
	v55 =	vunpack.i.u.s16.s32 v6;
	s17 =	sshll.u32 s17, $0x7;
	s22 =	sshll.u32 s15, $0x1;
	s16 =	sshll.u32 s16, $0xC;
	v1 =	vpack.i.b32.b16 v1, v57;
	[tilespmem:s18+$0x2850 ss:$0x81] =	vst.msk $0xffff, v56  }
0x15: {  	v58 =	vunpack.i.u.s16.s32 v5;
	s30 =	sshrl.u32 s15, $0x1;
	v4 =	vpack.i.b32.b16 v55, v54;
	s17 =	sand.u32 $0x300, s17;
	s21 =	sand.u32 $0x1C00, s21;
	[tilespmem:s18+$0x0 ss:$0x81] =	vst.msk $0xffff, v1  }
0x16: {  	v59 =	vunpack.i.l.s16.s32 v2;
	v60 =	vunpack.i.l.s16.s32 v3;
	s31 =	sand.u32 $0x7, s15;
	s29 =	sand.u32 $0xF0, s22;
	v0 =	vpack.i.b32.b16 v0, v58;
	s17 =	sor.u32 s17, s21;
	[tilespmem:s18+$0x2851 ss:$0x81] =	vst.msk $0xffff, v4  }
0x17: {  	v61 =	vunpack.i.u.s16.s32 v2;
	v62 =	vunpack.i.u.s16.s32 v3;
	s16 =	sadd.s32 s7, s16;
	v1 =	vpack.i.b32.b16 v60, v59;
	s17 =	sor.u32 s29, s17;
	[tilespmem:s20+$0x1 ss:$0x81] =	vst.msk $0xffff, v0;
	s18 =	sand.u32 $0xE00, s30  }
0x18: {  	v63 =	vpack.i.b32.b16 v62, v61;
	s15 =	sshll.u32 s31, $0x12;
	[tilespmem:s20+$0x3060 ss:$0x81] =	vst.msk $0xffff, v1;
	s17 =	sshrl.u32 s17, $0x4;
	s16 =	sadd.s32 s18, s16  }
0x19: {  	s15 =	sor.u32 $0x80, s15;
	[tilespmem:s20+$0x3061 ss:$0x81] =	vst.msk $0xffff, v63;
	s16 =	sadd.s32 s17, s16  }
0x1a: {  	[hbm4b:s16+s15] =	stream.strided.scatter [tilespmem:s19], [sflag:$0x2], $0x4000, s10, s15, $0x20;
	[tilespmem:$0x10100] =	vst v63  }
.LBB1_5:
0x1b: {  	s18 =	sadd.s32 $0x80, s11  }
0x1c: {  	s15 =	sadd.s32 $0x400, s12;
	s19 =	smov.u32 s12;
	p2 =	sgt.s32 s18, $0x3FF  }
0x1d: {  	s19 =	smov.u32 @p2 s15  }
0x1e: {  	s21 =	smov.u32 s13;
	s15 =	sadd.s32 $0x8, s13;
	p3 =	sgt.s32 s19, $0x1FFF  }
0x1f: {  	s21 =	smov.u32 @p3 s15  }
0x20: {  	s18 =	simm.s32 @p2 $0x0;
	p2 =	sgt.s32 s21, $0x7  }
0x21: {  	p1 =	slt.u32 s14, $0x2;
	s21 =	smov.u32 @p2 s3;
	p2 =	sne.s32 s14, s9  }
.Ltmp1:
0x22: {  	s20 =	simm.s32 @!p1 $0x2;
	(pc) =	sbr.rel @!p2 .LBB1_6-.Ltmp1, $4  }
0x23: {  	s16 =	smov.u32 s11;
	s17 =	smov.u32 s13;
	_ =	swait.ge @!p1 [sflag:s20], $0x4000  }
0x24: {  	p0 =	por !p0, !p0;
	[sflag:s20] =	ssyncset.done @!p1 $0x0;
	s11 =	smov.u32 s18  }
0x25: {  	s19 =	smov.u32 @p3 s4;
	s15 =	smov.u32 s12;
	[sflag:s20] =	ssyncadd.s32 @!p1 $0xFFFFC000  }
0x26: {  	s12 =	smov.u32 s19;
	s14 =	sadd.s32 $0x1, s14;
	s13 =	smov.u32 s21  }
.LBB1_1:
0x27: {  	p1 =	sge.u32 s14, s6  }
0x28: {  	s18 =	sshll.u32 @!p1 s12, $0xA  }
0x29: {  	s19 =	sshll.u32 @!p1 s11, $0x3;
	s20 =	sshll.u32 @!p1 s12, $0x7;
	s18 =	sand.u32 @!p1 $0x7FE000, s18  }
0x2a: {  	s21 =	sshll.u32 @!p1 s11, $0x1;
	s24 =	sand.u32 @!p1 $0x7, s11;
	s18 =	sadd.s32 @!p1 s18, s19  }
0x2b: {  	s19 =	sand.u32 @!p1 $0x300, s20;
	s20 =	sand.u32 @!p1 $0xF0, s21;
	s21 =	sxor.u32 @!p1 $0xFFFFFFFF, s14  }
0x2c: {  	s19 =	sor.u32 @!p1 s19, s20;
	s18 =	sshrl.u32 @!p1 s18, $0x4;
	s20 =	sshll.u32 @!p1 s13, $0x13  }
0x2d: {  	s21 =	sshll.u32 @!p1 s21, $0xE;
	s18 =	sand.u32 @!p1 $0x7FFC0, s18;
	s19 =	sshrl.u32 @!p1 s19, $0x4  }
0x2e: {  	s21 =	sand.u32 @!p1 $0x4000, s21;
	s22 =	sor.u32 @!p1 s18, s20;
	s23 =	sadd.s32 @!p1 s2, s19  }
0x2f: {  	s20 =	sadd.s32 @!p1 s20, s8;
	s22 =	sadd.s32 @!p1 s22, s23;
	s23 =	sshll.u32 @!p1 s24, $0x12  }
0x30: {  	s24 =	simm.s32 @!p1 $0x1000;
	s19 =	sadd.s32 @!p1 s19, s20;
	s23 =	sor.u32 @!p1 $0x200, s23  }
0x31: {  	[tilespmem:s21], [sflag:$0x1] =	stream.strided.gather @!p1 [hbm4b:s22+s23], $0x2000, s24, s23, $0x38;
	[tilespmem:$0x10100] =	vst v63  }
0x32: {  	s31 =	sadd.s32 $0xFFFFFFFF, s14;
	s18 =	sadd.s32 @!p1 s18, s19;
	s19 =	sor.u32 @!p1 $0x2000, s21  }
0x33: {  	[tilespmem:s19], [sflag:$0x1] =	stream.strided.gather @!p1 [hbm4b:s18+s23], $0x2000, s24, s23, $0x38;
	[tilespmem:$0x10100] =	vst v63  }
0x34: {  	p1 =	sge.u32 s31, s6  }
.Ltmp2:
0x35: {  	_ = 	snop;
	(pc) =	sbr.rel @p1 .LBB1_5-.Ltmp2, $1  }
0x36: {  	_ =	sdelay $0x3  }
0x37: {  	s18 =	simm.s32 $0x1  }
0x38: {  	_ =	swait.ge [sflag:s5], $0x4000;
	s18 =	simm.s32 @!p0 $0x0  }
0x39: {  	[sflag:s5] =	ssyncset.done $0x0;
	s19 =	sshll.u32 s18, $0xE  }
0x3a: {  	[sflag:s5] =	ssyncadd.s32 $0xFFFFC000;
	s20 =	sor.u32 $0x2000, s19  }
0x3b: {  	v0 =	vld [tilespmem:s20+$0xFFFFE070]  }
0x3c: {  	v1 =	vld [tilespmem:s20+$0x70]  }
0x3d: {  	v2 =	vld [tilespmem:s20+$0x0]  }
0x3e: {  	v3 =	vld [tilespmem:s20+$0xFFFFE010]  }
0x3f: {  	v5 =	vld [tilespmem:s20+$0xFFFFE020]  }
0x40: {  	v4 =	vld [tilespmem:s20+$0x10]  }
0x41: {  	v6 =	vld [tilespmem:s20+$0x20]  }
0x42: {  	s18 =	smul.u32 $0x10200, s18;
	v9 =	vld [tilespmem:s20+$0xFFFFE030];
	v7 =	vunpack.i.l.s16.s32 v0;
	v8 =	vunpack.i.l.s16.s32 v1  }
0x43: {  	v10 =	vunpack.i.u.s16.s32 v0;
	v11 =	vunpack.i.u.s16.s32 v1;
	v0 =	vunpack.i.u.s16.s32 v2  }
0x44: {  	s18 =	sshrl.u32 s18, $0x2;
	v1 =	vunpack.i.l.s16.s32 v2;
	v2 =	vld [tilespmem:s20+$0x30];
	v13 =	vunpack.i.u.s16.s32 v5;
	v5 =	vunpack.i.l.s16.s32 v5  }
0x45: {  	v12 =	vld [tilespmem:s20+$0xFFFFE040];
	s18 =	sor.u32 $0x8000, s18;
	v7 =	vpack.i.b32.b16 v8, v7;
	v8 =	vpack.i.b32.b16 v11, v10;
	v10 =	vunpack.i.u.s16.s32 v3  }
0x46: {  	v14 =	vld [tilespmem:s20+$0x40];
	v3 =	vunpack.i.l.s16.s32 v3;
	v11 =	vunpack.i.u.s16.s32 v4;
	v4 =	vunpack.i.l.s16.s32 v4;
	[tilespmem:s18+$0x3870 ss:$0x81] =	vst.msk $0xffff, v7  }
0x47: {  	s31 =	sand.u32 $0x1, s14;
	v15 =	vunpack.i.l.s16.s32 v6;
	v3 =	vpack.i.b32.b16 v4, v3;
	v4 =	vld [tilespmem:s20+$0xFFFFE050];
	v7 =	vunpack.i.u.s16.s32 v9;
	[tilespmem:s18+$0x3871 ss:$0x81] =	vst.msk $0xffff, v8  }
0x48: {  	s19 =	smul.u32 $0x10200, s31;
	v8 =	vunpack.i.u.s16.s32 v6;
	[tilespmem:s18+$0x810 ss:$0x81] =	vst.msk $0xffff, v3;
	v3 =	vpack.i.b32.b16 v11, v10;
	v11 =	vunpack.i.l.s16.s32 v9;
	v6 =	vld [tilespmem:s20+$0x50]  }
0x49: {  	[tilespmem:s18+$0x811 ss:$0x81] =	vst.msk $0xffff, v3;
	v3 =	vpack.i.b32.b16 v15, v5;
	v9 =	vunpack.i.u.s16.s32 v2;
	v15 =	vunpack.i.l.s16.s32 v2;
	v2 =	vld [tilespmem:s20+$0xFFFFE060]  }
0x4a: {  	s21 =	simm.s32 $0x0;
	s19 =	sshrl.u32 s19, $0x2;
	v10 =	vunpack.i.l.s16.s32 v12;
	v13 =	vpack.i.b32.b16 v8, v13;
	v8 =	vunpack.i.u.s16.s32 v12;
	[tilespmem:s18+$0x1020 ss:$0x81] =	vst.msk $0xffff, v3;
	v3 =	vld [tilespmem:s20+$0x60]  }
0x4b: {  	s22 =	sadd.s32 $0x80, s20;
	s19 =	sor.u32 $0x8000, s19;
	v5 =	vld [tilespmem:s20+$0xFFFFE000];
	v12 =	vunpack.i.l.s16.s32 v14;
	s20 =	smov.u32 s18;
	[tilespmem:s18+$0x1021 ss:$0x81] =	vst.msk $0xffff, v13;
	v13 =	vpack.i.b32.b16 v15, v11;
	v11 =	vunpack.i.u.s16.s32 v14  }
.LBB1_3:
0x4c: {  	v14 =	vld [tilespmem:s22+$0xFFFFE070];
	[tilespmem:s18+$0x1830 ss:$0x81] =	vst.msk $0xffff, v13;
	v7 =	vpack.i.b32.b16 v9, v7;
	v9 =	vunpack.i.u.s16.s32 v4;
	v4 =	vunpack.i.l.s16.s32 v4  }
0x4d: {  	v13 =	vld [tilespmem:s22+$0x70];
	[tilespmem:s18+$0x1831 ss:$0x81] =	vst.msk $0xffff, v7;
	v7 =	vpack.i.b32.b16 v12, v10;
	v10 =	vunpack.i.u.s16.s32 v6;
	v6 =	vunpack.i.l.s16.s32 v6  }
0x4e: {  	s21 =	sadd.s32 $0x2, s21;
	v12 =	vld [tilespmem:s22+$0x0];
	[tilespmem:s18+$0x2040 ss:$0x81] =	vst.msk $0xffff, v7;
	v7 =	vpack.i.b32.b16 v11, v8;
	v8 =	vunpack.i.u.s16.s32 v2;
	v2 =	vunpack.i.l.s16.s32 v2  }
0x4f: {  	p1 =	slt.u32 s21, $0x7E;
	v4 =	vpack.i.b32.b16 v6, v4;
	v6 =	vunpack.i.u.s16.s32 v3;
	v3 =	vunpack.i.l.s16.s32 v3;
	v11 =	vld [tilespmem:s22+$0xFFFFE010];
	[tilespmem:s18+$0x2041 ss:$0x81] =	vst.msk $0xffff, v7  }
0x50: {  	v15 =	vunpack.i.u.s16.s32 v5;
	v5 =	vunpack.i.l.s16.s32 v5;
	v7 =	vld [tilespmem:s22+$0x10];
	[tilespmem:s18+$0x2850 ss:$0x81] =	vst.msk $0xffff, v4;
	v4 =	vpack.i.b32.b16 v10, v9  }
0x51: {  	v1 =	vpack.i.b32.b16 v1, v5;
	v0 =	vpack.i.b32.b16 v0, v15;
	v2 =	vpack.i.b32.b16 v3, v2;
	v9 =	vld [tilespmem:s22+$0xFFFFE020];
	[tilespmem:s18+$0x2851 ss:$0x81] =	vst.msk $0xffff, v4  }
0x52: {  	v6 =	vpack.i.b32.b16 v6, v8;
	v4 =	vunpack.i.l.s16.s32 v14;
	v3 =	vld [tilespmem:s22+$0x20];
	v5 =	vunpack.i.l.s16.s32 v13;
	[tilespmem:s18+$0x0 ss:$0x81] =	vst.msk $0xffff, v1  }
0x53: {  	v10 =	vunpack.i.u.s16.s32 v14;
	v13 =	vunpack.i.u.s16.s32 v13;
	s18 =	sadd.s32 $0x2, s18;
	v8 =	vld [tilespmem:s22+$0xFFFFE030];
	v4 =	vpack.i.b32.b16 v5, v4;
	[tilespmem:s20+$0x1 ss:$0x81] =	vst.msk $0xffff, v0  }
0x54: {  	v0 =	vunpack.i.u.s16.s32 v12;
	v1 =	vunpack.i.l.s16.s32 v12;
	v5 =	vld [tilespmem:s22+$0x30];
	[tilespmem:s18+$0x3870 ss:$0x81] =	vst.msk $0xffff, v4;
	v4 =	vpack.i.b32.b16 v13, v10  }
0x55: {  	v10 =	vunpack.i.u.s16.s32 v11;
	v11 =	vunpack.i.l.s16.s32 v11;
	v12 =	vunpack.i.u.s16.s32 v7;
	v13 =	vld [tilespmem:s22+$0xFFFFE040];
	[tilespmem:s18+$0x3871 ss:$0x81] =	vst.msk $0xffff, v4  }
0x56: {  	v4 =	vunpack.i.l.s16.s32 v7;
	v14 =	vunpack.i.u.s16.s32 v9;
	v9 =	vunpack.i.l.s16.s32 v9;
	v15 =	vld [tilespmem:s22+$0x40];
	[tilespmem:s20+$0x3060 ss:$0x81] =	vst.msk $0xffff, v2  }
.Ltmp3:
0x57: {  	v2 =	vpack.i.b32.b16 v4, v11;
	v11 =	vunpack.i.u.s16.s32 v3;
	v3 =	vunpack.i.l.s16.s32 v3;
	v4 =	vld [tilespmem:s22+$0xFFFFE050];
	[tilespmem:s20+$0x3061 ss:$0x81] =	vst.msk $0xffff, v6;
	s20 =	smov.u32 s18;
	(pc) =	sbr.rel @p1 .LBB1_3-.Ltmp3, $4  }
0x58: {  	[tilespmem:s18+$0x810 ss:$0x81] =	vst.msk $0xffff, v2;
	v2 =	vpack.i.b32.b16 v12, v10;
	v7 =	vunpack.i.u.s16.s32 v8;
	v12 =	vunpack.i.l.s16.s32 v8;
	v6 =	vld [tilespmem:s22+$0x50]  }
0x59: {  	v3 =	vpack.i.b32.b16 v3, v9;
	[tilespmem:s18+$0x811 ss:$0x81] =	vst.msk $0xffff, v2;
	v9 =	vunpack.i.u.s16.s32 v5;
	v16 =	vunpack.i.l.s16.s32 v5;
	v2 =	vld [tilespmem:s22+$0xFFFFE060]  }
0x5a: {  	v11 =	vpack.i.b32.b16 v11, v14;
	[tilespmem:s18+$0x1020 ss:$0x81] =	vst.msk $0xffff, v3;
	v8 =	vunpack.i.u.s16.s32 v13;
	v10 =	vunpack.i.l.s16.s32 v13;
	v3 =	vld [tilespmem:s22+$0x60]  }
0x5b: {  	v13 =	vpack.i.b32.b16 v16, v12;
	v5 =	vld [tilespmem:s22+$0xFFFFE000];
	[tilespmem:s18+$0x1021 ss:$0x81] =	vst.msk $0xffff, v11;
	v11 =	vunpack.i.u.s16.s32 v15;
	v12 =	vunpack.i.l.s16.s32 v15;
	s22 =	sadd.s32 $0x80, s22  }
.Ltmp4:
0x5c: {  	_ = 	snop;
	(pc) =	sbr.rel .LBB1_4-.Ltmp4, $1  }
0x5d: {  	_ =	sdelay $0x3  }
.LBB1_6:
0x5e: {  	_ =	sfence.sel $0x180000  }
0x5f: {  	s2 =	simm.s32 $0x1;
	[bflag:$0x0] =	sbarrier.arrive $0xFFFF  }
0x60: {  	s31 =	simm.s32 $0x2;
	[sflag:s2] =	ssyncpa.u1 $0x1  }
0x61: {  	[sflag:s31] =	ssyncpa.u1 $0x1  }
0x62: {  	p0 =	sne.s32 s0, $0x0;
	_ =	strace $0x9000004A  }
0x63: {  	s0 =	sadd.s32 @!p0 $0x100000, s1;
	[bflag:$0x2] =	sbarrier.arrive $0xFFFF  }
0x64: {  	[sflag:s0] =	ssyncadd.tile.s32 @!p0 $0x1;
	_ =	shalt  }
.Lfunc_end1:
_tile_overlayer_lowered:
.L_overlay_start_2:
0x65: {  	(tag) =	ssettag $0x2  }
0x66: {  	s0 =	rddreg [dreg:$0x0];
	s2 =	stileid.u32  }
0x67: {  	s1 =	rddreg [dreg:$0x1];
	p0 =	sne.s32 s2, $0x0  }
0x68: {  	s3 =	rddreg [dreg:$0x2];
	[bflag:$0x3] =	sbarrier.arrive $0xFFFF;
	s2 =	simm.s32 @!p0 $0x1C01  }
0x69: {  	[timem:s3], [sflag:s2] =	dma.local @!p0 [hbm:s0], s1  }
0x6a: {  	s0 =	simm.s32 @!p0 $0x1  }
0x6b: {  	_ =	swait.ge @!p0 [sflag:s0], s1  }
0x6c: {  	s1 =	ssub.s32 @!p0 $0x0, s1;
	[sflag:s0] =	ssyncset.done @!p0 $0x0  }
0x6d: {  	[sflag:s0] =	ssyncadd.s32 @!p0 s1  }
0x6e: {  	[bflag:$0x3] =	sbarrier.arrive $0xFFFF  }
0x6f: {  	_ =	shalt  }

// kernel: sparse-core-data-format-call.cloned.1.call-start
scs
called_computation_lowered:
.L_overlay_start_0:
0x0: {  	s1 =	sld [smem:$0x3FD9]  }
0x1: {  	s2 =	sld [smem:$0x3FFE];
	_ =	sdelay $0x1  }
0x2: {  	s3 =	srdreg.scid  }
0x3: {  	s0 =	sand.u32 $0x1, s3  }
0x4: {  	s17 =	sshll.u32 s0, $0xA;
	s1 =	sadd.s32 s2, s1  }
0x5: {  	s1 =	sadd.s32 s1, s17  }
0x6: {  	[smem:$0x3FC1] =	sst s1  }
0x7: {  	_ = 	snop  }
0x8: {  	(tm) =	ssettm $0x1  }
0x9: {  	s18 =	sld [smem:$0x3FFB];
	_ =	sdelay $0x3  }
0xa: {  	_ =	strace s18  }
0xb: {  	s1 =	sld [smem:$0x3FFC];
	_ =	sdelay $0x3  }
0xc: {  	_ =	strace s1  }
0xd: {  	s1 =	sld [smem:$0x3FFD];
	_ =	sdelay $0x3  }
0xe: {  	_ =	strace s1  }
0xf: {  	_ =	strace $0x8FFFFFFF  }
0x10: {  	s19 =	sld [smem:$0x3FDB];
	_ =	sdelay $0x1  }
0x11: {  	s20 =	simm.s32 $_scs_section_size  }
0x12: {  	s4 =	simm.s32 $_size__tile_overlayer_lowered;
	s5 =	simm.s32 $_tile_overlayer_lowered  }
0x13: {  	s23 =	simm.s32 $0x1BFF;
	s22 =	sshll.u32 s5, $0x1;
	s1 =	sadd.s32 s20, s19  }
0x14: {  	s6 =	simm.s32 $0x0;
	s21 =	sshll.u32 s4, $0x1;
	s4 =	sadd.s32 s22, s1  }
0x15: {  	[timem:s6], [sflag:s23] =	dma.local [hbm:s4], s21  }
0x16: {  	_ =	swait.ge [sflag:s23], s21  }
0x17: {  	s2 =	ssub.s32 $0x0, s21;
	[sflag:s23] =	ssyncset.done $0x0  }
0x18: {  	[sflag:s23] =	ssyncadd.s32 s2;
	_ =	sdelay $0x1  }
0x19: {  	s24 =	simm.s32 $0x1B8B  }
0x1a: {  	_ =	swait.ge [sflag:s24], $0x1  }
0x1b: {  	[sflag:s24] =	ssyncset.done $0x0  }
0x1c: {  	s26 =	simm.s32 $0x1B8E;
	s25 =	sld [smem:$0x3FFE];
	[sflag:s24] =	ssyncadd.s32 $0xFFFFFFFF  }
0x1d: {  	s27 =	simm.s32 $execute0_lowered;
	[smem:$0x3FD2] =	sst s26  }
0x1e: {  	s4 =	sshll.u32 s27, $0x1;
	_ =	strace $0x8000004C;
	[dreg:$0x1] =	wrdreg $0xFFFFFFFF  }
0x1f: {  	s28 =	simm.s32 $_size_execute0_lowered;
	s1 =	sadd.s32 s1, s4;
	[dreg:$0x0] =	wrdreg $0x0  }
0x20: {  	s4 =	sshll.u32 s28, $0x1;
	[dreg:$0x2] =	wrdreg s1  }
0x21: {  	[dreg:$0x3] =	wrdreg s4  }
0x22: {  	[dreg:$0x4] =	wrdreg $0xC0  }
0x23: {  	_ =	task [dreg:s6], $0x5FFFF  }
0x24: {  	[dreg:$0x1] =	wrdreg $0xFFFFFFFF  }
0x25: {  	[dreg:$0x0] =	wrdreg $0x60  }
0x26: {  	[dreg:$0x2] =	wrdreg s25  }
0x27: {  	[dreg:$0x3] =	wrdreg $0x9  }
0x28: {  	_ =	task.clear_ibuf [dreg:s6], $0x4FFFF;
	_ =	strace $0x9000004C  }
0x29: {  	s29 =	simm.s32 $0x9;
	_ =	strace $0x8000004E  }
0x2a: {  	_ =	swait.ge [sflag:s29], $0x1  }
0x2b: {  	[sflag:s29] =	ssyncadd.s32 $0xFFFFFFFF  }
0x2c: {  	_ =	strace $0x9000004E  }
0x2d: {  	_ =	sfence  }
0x2e: {  	s30 =	sld [smem:$0x0];
	_ =	sdelay $0x2  }
0x2f: {  	s31 =	sshll.u32 s3, $0xD;
	s3 =	sshrl.u32 s3, $0x2  }
0x30: {  	s2 =	sand.u32 $0x4000, s31;
	s1 =	sadd.s32 s3, s30  }
0x31: {  	s0 =	sor.u32 s2, s0;
	s1 =	sshll.u32 s1, $0x11  }
0x32: {  	s0 =	sor.u32 s1, s0  }
0x33: {  	s0 =	sadd.s32 $0x8F2B, s0  }
0x34: {  	[sflag:s0] =	ssyncadd.remote.s32 $0x1  }
0x35: {  	_ =	sfence.sel $0xFFFF  }
0x36: {  	[dreg:$0x0] =	wrdreg $0xFFFFFFFF;
	(pc) =	sbr.abs _section_cstart, $3  }
0x37: {  	[dreg:$0x1] =	wrdreg $0xFFFFFFFF  }
0x38: {  	_ =	task.clear_ibuf [dreg:s6], $0x2FFFF;
	_ =	strace $0x9FFFFFFF  }
0x39: {  	(tm) =	ssettm $0x7FFFFFFF  }
tec
execute0_lowered:
.L_overlay_start_1:
0x0: {  	(tag) =	ssettag $0x1  }
0x1: {  	s0 =	srdreg.scid  }
0x2: {  	s1 =	sshll.u32 s0, $0x4  }
0x3: {  	s0 =	stileid.u32;
	s1 =	sand.u32 $0x10, s1  }
0x4: {  	s3 =	rddreg [dreg:$0x0];
	s1 =	sor.u32 s0, s1  }
0x5: {  	s6 =	simm.s32 $0x1;
	s7 =	simm.s32 $0x2;
	s2 =	sshll.u32 s1, $0x3  }
0x6: {  	s12 =	simm.s32 $0x0;
	s8 =	simm.s32 $0x0;
	s5 =	ssub.s32 $0x400, s2  }
0x7: {  	s13 =	simm.s32 $0x0;
	s9 =	simm.s32 $0x0;
	s4 =	sand.u32 $0xF8, s5  }
.Ltmp0:
0x8: {  	s11 =	simm.s32 $0x0;
	p0 =	sne.s32 s4, $0x0;
	(pc) =	sbr.rel .LBB1_1-.Ltmp0, $4  }
0x9: {  	s1 =	rddreg [dreg:$0x1];
	s5 =	sshrl.u32 s5, $0x8;
	s6 =	simm.s32 @!p0 $0x0  }
0xa: {  	_ =	strace $0x8000004D;
	s4 =	simm.s32 $0x1;
	s6 =	sadd.s32 s6, s5  }
0xb: {  	s10 =	smov.u32 s2;
	[sflag:s4] =	ssyncpa.u1 $0x0;
	s6 =	sshll.u32 s6, $0x2  }
0xc: {  	s5 =	sadd.s32 $0x100000, s3;
	[sflag:s7] =	ssyncpa.u1 $0x0;
	s7 =	sor.u32 $0x1, s6  }
.LBB1_7:
0xd: {  	s14 =	sadd.s32 $0x800, s9  }
0xe: {  	s12 =	sadd.s32 $0x100, s10;
	s16 =	smov.u32 s10;
	p1 =	sgt.s32 s14, $0x1FFF  }
0xf: {  	s16 =	smov.u32 @p1 s12  }
0x10: {  	s14 =	simm.s32 @p1 $0x0;
	p1 =	sgt.s32 s16, $0x3FF  }
0x11: {  	s16 =	smov.u32 @p1 s2;
	p1 =	sne.s32 s11, s7  }
.Ltmp1:
0x12: {  	p0 =	slt.u32 s11, $0x2;
	(pc) =	sbr.rel @!p1 .LBB1_8-.Ltmp1, $4  }
0x13: {  	s15 =	simm.s32 @!p0 $0x2  }
0x14: {  	s13 =	smov.u32 s10;
	s8 =	sadd.s32 $0x4000, s8;
	_ =	swait.ge @!p0 [sflag:s15], $0x4000  }
0x15: {  	s12 =	smov.u32 s9;
	[sflag:s15] =	ssyncset.done @!p0 $0x0;
	s9 =	smov.u32 s14  }
0x16: {  	s11 =	sadd.s32 $0x1, s11;
	[sflag:s15] =	ssyncadd.s32 @!p0 $0xFFFFC000;
	s10 =	smov.u32 s16  }
.LBB1_1:
0x17: {  	p0 =	sge.u32 s11, s6;
	s31 =	sadd.s32 $0xFFFFFFFF, s11  }
0x18: {  	s14 =	sxor.u32 @!p0 $0xFFFFFFFF, s11;
	s15 =	sshll.u32 @!p0 s10, $0xA;
	s16 =	sshrl.u32 @!p0 s9, $0x3  }
0x19: {  	s17 =	sand.u32 @!p0 $0x7, s9;
	s14 =	sshll.u32 @!p0 s14, $0xE;
	s16 =	sand.u32 @!p0 $0x3FF, s16  }
0x1a: {  	s15 =	sadd.s32 @!p0 s3, s15;
	s17 =	sshll.u32 @!p0 s17, $0x12;
	s14 =	sand.u32 @!p0 $0x4000, s14  }
0x1b: {  	s15 =	sadd.s32 @!p0 s16, s15;
	s16 =	sor.u32 @!p0 $0x800, s17;
	s17 =	simm.s32 @!p0 $0x2000  }
0x1c: {  	[tilespmem:s14], [sflag:$0x1] =	stream.strided.gather @!p0 [hbm4b:s15+s16], $0x4000, s17, s16, $0x38;
	[tilespmem:$0x10000] =	vst v63  }
0x1d: {  	p0 =	sge.u32 s31, s6  }
.Ltmp2:
0x1e: {  	_ = 	snop;
	(pc) =	sbr.rel @p0 .LBB1_7-.Ltmp2, $1  }
0x1f: {  	_ =	sdelay $0x3  }
0x20: {  	s14 =	sand.u32 $0x4000, s8  }
0x21: {  	_ =	swait.ge [sflag:s4], $0x4000;
	s17 =	sshll.u32 s11, $0xE;
	s15 =	sor.u32 $0x100, s14  }
0x22: {  	s16 =	sor.u32 $0x8800, s14;
	[sflag:s4] =	ssyncset.done $0x0;
	s31 =	sand.u32 $0x4000, s17  }
0x23: {  	s17 =	simm.s32 $0x0;
	[sflag:s4] =	ssyncadd.s32 $0xFFFFC000;
	s14 =	sor.u32 $0x8000, s31  }
.LBB1_3:
0x24: {  	v0 =	vld [tilespmem:s15+$0xF0]  }
0x25: {  	v1 =	vld [tilespmem:s15+$0xFFFFFF10]  }
0x26: {  	v2 =	vld [tilespmem:s15+$0xFFFFFF20]  }
0x27: {  	v3 =	vld [tilespmem:s15+$0xFFFFFF30]  }
0x28: {  	v4 =	vld [tilespmem:s15+$0xFFFFFF40]  }
0x29: {  	v5 =	vld [tilespmem:s15+$0xFFFFFF50];
	[tilespmem:s16+$0x470] =	vst v0  }
0x2a: {  	[tilespmem:s16+$0xFFFFF810] =	vst v1;
	v0 =	vld [tilespmem:s15+$0xFFFFFF60]  }
0x2b: {  	[tilespmem:s16+$0xFFFFF820] =	vst v2;
	v1 =	vld [tilespmem:s15+$0xFFFFFF70]  }
0x2c: {  	[tilespmem:s16+$0xFFFFF830] =	vst v3;
	v2 =	vld [tilespmem:s15+$0xFFFFFF80]  }
0x2d: {  	[tilespmem:s16+$0xFFFFF840] =	vst v4;
	v3 =	vld [tilespmem:s15+$0xFFFFFF90]  }
0x2e: {  	[tilespmem:s16+$0xFFFFF850] =	vst v5;
	v4 =	vld [tilespmem:s15+$0xFFFFFFA0]  }
0x2f: {  	v5 =	vld [tilespmem:s15+$0xA0];
	[tilespmem:s16+$0xFFFFF860] =	vst v0  }
0x30: {  	v0 =	vld [tilespmem:s15+$0xFFFFFFB0];
	[tilespmem:s16+$0xFFFFF870] =	vst v1  }
0x31: {  	v1 =	vld [tilespmem:s15+$0xFFFFFFC0];
	[tilespmem:s16+$0xFFFFFC00] =	vst v2  }
0x32: {  	[tilespmem:s16+$0xFFFFFC10] =	vst v3;
	v3 =	vld [tilespmem:s15+$0xFFFFFFE0]  }
0x33: {  	[tilespmem:s16+$0xFFFFFC20] =	vst v4;
	v4 =	vld [tilespmem:s15+$0xFFFFFFF0]  }
0x34: {  	v2 =	vld [tilespmem:s15+$0xFFFFFFD0];
	[tilespmem:s16+$0x420] =	vst v5  }
0x35: {  	[tilespmem:s16+$0xFFFFFC30] =	vst v0;
	v0 =	vld [tilespmem:s15+$0x0]  }
0x36: {  	[tilespmem:s16+$0xFFFFFC40] =	vst v1;
	v1 =	vld [tilespmem:s15+$0x10]  }
0x37: {  	[tilespmem:s16+$0xFFFFFC60] =	vst v3;
	v3 =	vld [tilespmem:s15+$0x30]  }
0x38: {  	[tilespmem:s16+$0xFFFFFC70] =	vst v4;
	v4 =	vld [tilespmem:s15+$0x40]  }
0x39: {  	[tilespmem:s16+$0xFFFFFC50] =	vst v2;
	v2 =	vld [tilespmem:s15+$0x20]  }
0x3a: {  	[tilespmem:s16+$0x0] =	vst v0;
	v0 =	vld [tilespmem:s15+$0x50]  }
0x3b: {  	[tilespmem:s16+$0x10] =	vst v1;
	v1 =	vld [tilespmem:s15+$0x60]  }
0x3c: {  	[tilespmem:s16+$0x30] =	vst v3;
	v3 =	vld [tilespmem:s15+$0x80]  }
0x3d: {  	[tilespmem:s16+$0x40] =	vst v4;
	v4 =	vld [tilespmem:s15+$0x90]  }
0x3e: {  	[tilespmem:s16+$0x20] =	vst v2;
	v2 =	vld [tilespmem:s15+$0x70]  }
0x3f: {  	[tilespmem:s16+$0x50] =	vst v0;
	v0 =	vld [tilespmem:s15+$0xB0]  }
0x40: {  	[tilespmem:s16+$0x60] =	vst v1;
	v1 =	vld [tilespmem:s15+$0xC0]  }
0x41: {  	[tilespmem:s16+$0x400] =	vst v3;
	v3 =	vld [tilespmem:s15+$0xD0]  }
0x42: {  	[tilespmem:s16+$0x410] =	vst v4;
	v4 =	vld [tilespmem:s15+$0xE0]  }
0x43: {  	s19 =	simm.s32 $0x0;
	s20 =	sadd.s32 $0x200, s15;
	s18 =	smov.u32 s16;
	[tilespmem:s16+$0x70] =	vst v2;
	v2 =	vld [tilespmem:s15+$0xFFFFFF00]  }
.LBB1_4:
0x44: {  	v5 =	vld [tilespmem:s20+$0xF0];
	s19 =	sadd.s32 $0x200, s19;
	[tilespmem:s18+$0x430] =	vst v0  }
0x45: {  	v0 =	vld [tilespmem:s20+$0xFFFFFF10];
	p0 =	slt.u32 s19, $0x600;
	[tilespmem:s18+$0x440] =	vst v1  }
0x46: {  	v1 =	vld [tilespmem:s20+$0xFFFFFF20];
	[tilespmem:s18+$0x450] =	vst v3  }
0x47: {  	v3 =	vld [tilespmem:s20+$0xFFFFFF30];
	[tilespmem:s18+$0x460] =	vst v4  }
0x48: {  	v4 =	vld [tilespmem:s20+$0xFFFFFF40];
	[tilespmem:s18+$0xFFFFF800] =	vst v2;
	s18 =	sadd.s32 $0x1000, s18  }
0x49: {  	v2 =	vld [tilespmem:s20+$0xFFFFFF50];
	[tilespmem:s18+$0x470] =	vst v5  }
0x4a: {  	[tilespmem:s18+$0xFFFFF810] =	vst v0;
	v0 =	vld [tilespmem:s20+$0xFFFFFF60]  }
0x4b: {  	[tilespmem:s18+$0xFFFFF820] =	vst v1;
	v1 =	vld [tilespmem:s20+$0xFFFFFF70]  }
0x4c: {  	[tilespmem:s18+$0xFFFFF830] =	vst v3;
	v3 =	vld [tilespmem:s20+$0xFFFFFF80]  }
0x4d: {  	[tilespmem:s18+$0xFFFFF840] =	vst v4;
	v4 =	vld [tilespmem:s20+$0xFFFFFF90]  }
0x4e: {  	[tilespmem:s18+$0xFFFFF850] =	vst v2;
	v2 =	vld [tilespmem:s20+$0xFFFFFFA0]  }
0x4f: {  	[tilespmem:s18+$0xFFFFF860] =	vst v0;
	v0 =	vld [tilespmem:s20+$0xFFFFFFB0]  }
0x50: {  	[tilespmem:s18+$0xFFFFF870] =	vst v1;
	v1 =	vld [tilespmem:s20+$0xFFFFFFC0]  }
0x51: {  	[tilespmem:s18+$0xFFFFFC00] =	vst v3;
	v3 =	vld [tilespmem:s20+$0xFFFFFFD0]  }
0x52: {  	[tilespmem:s18+$0xFFFFFC10] =	vst v4;
	v4 =	vld [tilespmem:s20+$0xFFFFFFE0]  }
0x53: {  	[tilespmem:s18+$0xFFFFFC20] =	vst v2;
	v2 =	vld [tilespmem:s20+$0xFFFFFFF0]  }
0x54: {  	[tilespmem:s18+$0xFFFFFC30] =	vst v0;
	v0 =	vld [tilespmem:s20+$0x0]  }
0x55: {  	[tilespmem:s18+$0xFFFFFC40] =	vst v1;
	v1 =	vld [tilespmem:s20+$0x10]  }
0x56: {  	[tilespmem:s18+$0xFFFFFC50] =	vst v3;
	v3 =	vld [tilespmem:s20+$0x20]  }
0x57: {  	[tilespmem:s18+$0xFFFFFC60] =	vst v4;
	v4 =	vld [tilespmem:s20+$0x30]  }
0x58: {  	[tilespmem:s18+$0xFFFFFC70] =	vst v2;
	v2 =	vld [tilespmem:s20+$0x40]  }
0x59: {  	[tilespmem:s18+$0x0] =	vst v0;
	v0 =	vld [tilespmem:s20+$0x50]  }
0x5a: {  	[tilespmem:s18+$0x10] =	vst v1;
	v1 =	vld [tilespmem:s20+$0x60]  }
0x5b: {  	[tilespmem:s18+$0x20] =	vst v3;
	v3 =	vld [tilespmem:s20+$0x70]  }
0x5c: {  	[tilespmem:s18+$0x30] =	vst v4;
	v4 =	vld [tilespmem:s20+$0x80]  }
0x5d: {  	[tilespmem:s18+$0x40] =	vst v2;
	v2 =	vld [tilespmem:s20+$0x90]  }
0x5e: {  	[tilespmem:s18+$0x50] =	vst v0;
	v5 =	vld [tilespmem:s20+$0xA0]  }
.Ltmp3:
0x5f: {  	[tilespmem:s18+$0x60] =	vst v1;
	v0 =	vld [tilespmem:s20+$0xB0];
	(pc) =	sbr.rel @p0 .LBB1_4-.Ltmp3, $4  }
0x60: {  	[tilespmem:s18+$0x70] =	vst v3;
	v1 =	vld [tilespmem:s20+$0xC0]  }
0x61: {  	[tilespmem:s18+$0x400] =	vst v4;
	v3 =	vld [tilespmem:s20+$0xD0]  }
0x62: {  	[tilespmem:s18+$0x410] =	vst v2;
	v4 =	vld [tilespmem:s20+$0xE0]  }
0x63: {  	v2 =	vld [tilespmem:s20+$0xFFFFFF00];
	[tilespmem:s18+$0x420] =	vst v5;
	s20 =	sadd.s32 $0x200, s20  }
0x64: {  	s17 =	sadd.s32 $0x1, s17  }
0x65: {  	p0 =	sne.s32 s17, $0x8  }
.Ltmp4:
0x66: {  	[tilespmem:s18+$0x430] =	vst v0;
	(pc) =	sbr.rel @p0 .LBB1_3-.Ltmp4, $4  }
0x67: {  	[tilespmem:s18+$0x440] =	vst v1  }
0x68: {  	[tilespmem:s18+$0x450] =	vst v3  }
0x69: {  	[tilespmem:s18+$0x460] =	vst v4  }
0x6a: {  	s15 =	sadd.s32 $0x800, s15;
	s16 =	sadd.s32 $0x80, s16;
	[tilespmem:s18+$0xFFFFF800] =	vst v2  }
0x6b: {  	s15 =	sand.u32 $0x78, s12;
	s16 =	sshll.u32 s13, $0xD;
	s29 =	sshll.u32 s13, $0x7  }
0x6c: {  	s17 =	sshll.u32 s12, $0x3;
	s16 =	sand.u32 $0x7F0000, s16;
	s13 =	sand.u32 $0x380, s29  }
0x6d: {  	s16 =	sadd.s32 s16, s17;
	s17 =	sand.u32 $0x1C00, s17;
	s13 =	sor.u32 s13, s15  }
.Ltmp5:
0x6e: {  	s30 =	sand.u32 $0x7FE000, s16;
	s13 =	sor.u32 s17, s13;
	(pc) =	sbr.rel .LBB1_7-.Ltmp5, $4  }
0x6f: {  	s13 =	sor.u32 s30, s13  }
0x70: {  	s13 =	sshrl.u32 s13, $0x3  }
0x71: {  	s31 =	sand.u32 $0x7, s12;
	s13 =	sadd.s32 s5, s13  }
0x72: {  	[hbm4b:s13+s31] =	stream.linear.scatter [tilespmem:s14], [sflag:$0x2], $0x4000, $0x38;
	[tilespmem:$0x10000] =	vst v63  }
.LBB1_8:
0x73: {  	_ =	sfence.sel $0x180000  }
0x74: {  	s2 =	simm.s32 $0x1;
	[bflag:$0x0] =	sbarrier.arrive $0xFFFF  }
0x75: {  	s31 =	simm.s32 $0x2;
	[sflag:s2] =	ssyncpa.u1 $0x1  }
0x76: {  	[sflag:s31] =	ssyncpa.u1 $0x1  }
0x77: {  	p0 =	sne.s32 s0, $0x0;
	_ =	strace $0x9000004D  }
0x78: {  	s0 =	sadd.s32 @!p0 $0x100000, s1;
	[bflag:$0x2] =	sbarrier.arrive $0xFFFF  }
0x79: {  	[sflag:s0] =	ssyncadd.tile.s32 @!p0 $0x1;
	_ =	shalt  }
.Lfunc_end1:
_tile_overlayer_lowered:
.L_overlay_start_2:
0x7a: {  	(tag) =	ssettag $0x2  }
0x7b: {  	s0 =	rddreg [dreg:$0x0];
	s2 =	stileid.u32  }
0x7c: {  	s1 =	rddreg [dreg:$0x1];
	p0 =	sne.s32 s2, $0x0  }
0x7d: {  	s3 =	rddreg [dreg:$0x2];
	[bflag:$0x3] =	sbarrier.arrive $0xFFFF;
	s2 =	simm.s32 @!p0 $0x1C01  }
0x7e: {  	[timem:s3], [sflag:s2] =	dma.local @!p0 [hbm:s0], s1  }
0x7f: {  	s0 =	simm.s32 @!p0 $0x1  }
0x80: {  	_ =	swait.ge @!p0 [sflag:s0], s1  }
0x81: {  	s1 =	ssub.s32 @!p0 $0x0, s1;
	[sflag:s0] =	ssyncset.done @!p0 $0x0  }
0x82: {  	[sflag:s0] =	ssyncadd.s32 @!p0 s1  }
0x83: {  	[bflag:$0x3] =	sbarrier.arrive $0xFFFF  }
0x84: {  	_ =	shalt  }

</sc_bundles>
